<compile_context>
chip_gen: v7x
topology: tpu7x:2x2x1
jax: 0.10.2.dev20260603
libtpu: 0.0.44.dev20260713+nightly
codegen_flags: <defaults>
</compile_context>

<pallas_src>
import functools

import jax
import jax.numpy as jnp
import numpy as np
from jax import lax
from jax.experimental import pallas as pl
from jax.experimental.pallas import tpu as pltpu
from jax.experimental.pallas import tpu_sc as plsc

NC = 2
NS = 16
NW = NC * NS
CHUNK = 128


def _deg_body(n_pad, chunks, dst2_hbm, ones_hbm, zeros_hbm, deg0_hbm,
              deg1_hbm, ones_v, didx_all, deg_sh, zrow_v, sem):
    c = lax.axis_index("c")
    s = lax.axis_index("s")
    wid = s * NC + c
    rows_per_tile = n_pad // NS
    rslice = pl.ds(s * rows_per_tile, rows_per_tile)
    pltpu.sync_copy(zeros_hbm.at[rslice], zrow_v)
    pltpu.sync_copy(zrow_v, deg_sh.at[rslice])
    pltpu.sync_copy(ones_hbm, ones_v)
    pltpu.sync_copy(dst2_hbm.at[pl.ds(wid * chunks, chunks)], didx_all)
    plsc.subcore_barrier()

    def fire(i, carry):
        pltpu.async_copy(ones_v, deg_sh.at[didx_all.at[i]], sem, add=True)
        return carry

    lax.fori_loop(0, chunks, fire, 0, unroll=False)

    def drain(i, carry):
        pltpu.make_async_copy(ones_v, deg_sh.at[didx_all.at[i]], sem).wait()
        return carry

    lax.fori_loop(0, chunks, drain, 0, unroll=False)
    plsc.subcore_barrier()
    pltpu.sync_copy(deg_sh.at[rslice], zrow_v)
    @pl.when(c == 0)
    def _():
        pltpu.sync_copy(zrow_v, deg0_hbm.at[rslice])
    @pl.when(c == 1)
    def _():
        pltpu.sync_copy(zrow_v, deg1_hbm.at[rslice])


SEG_MAX = 24


def _seg_sizes(chunks):
    sizes, rem = [], chunks
    while rem:
        take = min(SEG_MAX, rem)
        sizes.append(take)
        rem -= take
    return sizes


def _agg_body(n_pad, d, chunks, g_hbm, src2_hbm, dst2_hbm, zeros_hbm,
              agg0_hbm, agg1_hbm, sidxA, didxA, sidxB, didxB, rows0, rows1,
              agg_sh, sem0, sem1, isem0, isem1):
    c = lax.axis_index("c")
    s = lax.axis_index("s")
    wid = s * NC + c
    rows_per_tile = n_pad // NS
    sizes = _seg_sizes(chunks)
    sbufs = (sidxA, sidxB)
    dbufs = (didxA, didxB)
    pltpu.sync_copy(zeros_hbm, rows0)
    for j in range(rows_per_tile // CHUNK):
        zslice = pl.ds(s * rows_per_tile + j * CHUNK, CHUNK)
        pltpu.sync_copy(rows0, agg_sh.at[zslice])
    cbase = wid * chunks
    sz0 = sizes[0]
    pltpu.sync_copy(src2_hbm.at[pl.ds(cbase, sz0)], sidxA.at[pl.ds(0, sz0)])
    pltpu.sync_copy(dst2_hbm.at[pl.ds(cbase, sz0)], didxA.at[pl.ds(0, sz0)])
    plsc.subcore_barrier()

    pltpu.async_copy(g_hbm.at[sidxA.at[0]], rows0, sem0)
    pltpu.async_copy(g_hbm.at[sidxA.at[1]], rows1, sem1)

    off = 0
    for q, sz in enumerate(sizes):
        sx, dx = sbufs[q % 2], dbufs[q % 2]
        sx2, dx2 = sbufs[1 - q % 2], dbufs[1 - q % 2]
        nxt = sizes[q + 1] if q + 1 < len(sizes) else 0
        if nxt:
            nslice = pl.ds(cbase + off + sz, nxt)
            pltpu.async_copy(src2_hbm.at[nslice], sx2.at[pl.ds(0, nxt)], isem0)
            pltpu.async_copy(dst2_hbm.at[nslice], dx2.at[pl.ds(0, nxt)], isem1)

        def step(j, carry, sx=sx, dx=dx):
            i = 2 * j
            pltpu.make_async_copy(g_hbm.at[sx.at[i]], rows0, sem0).wait()
            pltpu.sync_copy(rows0, agg_sh.at[dx.at[i]], add=True)
            pltpu.async_copy(g_hbm.at[sx.at[i + 2]], rows0, sem0)
            pltpu.make_async_copy(g_hbm.at[sx.at[i + 1]], rows1, sem1).wait()
            pltpu.sync_copy(rows1, agg_sh.at[dx.at[i + 1]], add=True)
            pltpu.async_copy(g_hbm.at[sx.at[i + 3]], rows1, sem1)
            return carry

        lax.fori_loop(0, sz // 2 - 1, step, 0, unroll=False)
        last = sz - 2
        pltpu.make_async_copy(g_hbm.at[sx.at[last]], rows0, sem0).wait()
        pltpu.sync_copy(rows0, agg_sh.at[dx.at[last]], add=True)
        if nxt:
            pltpu.make_async_copy(src2_hbm.at[pl.ds(cbase, nxt)],
                                  sx2.at[pl.ds(0, nxt)], isem0).wait()
            pltpu.async_copy(g_hbm.at[sx2.at[0]], rows0, sem0)
        pltpu.make_async_copy(g_hbm.at[sx.at[last + 1]], rows1, sem1).wait()
        pltpu.sync_copy(rows1, agg_sh.at[dx.at[last + 1]], add=True)
        if nxt:
            pltpu.make_async_copy(dst2_hbm.at[pl.ds(cbase, nxt)],
                                  dx2.at[pl.ds(0, nxt)], isem1).wait()
            pltpu.async_copy(g_hbm.at[sx2.at[1]], rows1, sem1)
        off += sz

    plsc.subcore_barrier()
    rslice = pl.ds(s * rows_per_tile, rows_per_tile)
    @pl.when(c == 0)
    def _():
        pltpu.sync_copy(agg_sh.at[rslice], agg0_hbm.at[rslice])
    @pl.when(c == 1)
    def _():
        pltpu.sync_copy(agg_sh.at[rslice], agg1_hbm.at[rslice])


def _mm_body(x_ref, w_ref, d0_ref, d1_ref, g_ref, dinv_ref):
    deg = d0_ref[...] + d1_ref[...] + 1.0
    di = lax.rsqrt(deg)
    dinv_ref[...] = di
    g_ref[...] = jnp.dot(x_ref[...], w_ref[...],
                         preferred_element_type=jnp.float32) * di


def _fin_body(a0_ref, a1_ref, g_ref, dinv_ref, b_ref, y_ref):
    acc = a0_ref[...] + a1_ref[...] + g_ref[...]
    y_ref[...] = jnp.maximum(dinv_ref[...] * acc + b_ref[...], 0.0)


def kernel(x, edge_index, W, b):
    n, d = x.shape
    e = edge_index.shape[1]
    n_pad = -(-(n + 1) // (NS * CHUNK)) * (NS * CHUNK)
    chunks = -(-e // (NW * CHUNK))
    chunks = -(-chunks // 8) * 8
    e_pad = NW * chunks * CHUNK

    src = edge_index[0]
    dst = edge_index[1]
    pad_iota = np.arange(e_pad - e, dtype=np.int32)
    src_p = jnp.concatenate([src, jnp.asarray(pad_iota % n)])
    dst_p = jnp.concatenate([dst, jnp.asarray(n + pad_iota % (n_pad - n))])
    ones_c = jnp.ones((CHUNK,), jnp.float32)
    zeros_n = jnp.zeros((n_pad,), jnp.float32)
    zeros_nd = jnp.zeros((CHUNK, d), jnp.float32)

    mesh = plsc.VectorSubcoreMesh(core_axis_name="c", subcore_axis_name="s")

    deg_k = pl.kernel(
        functools.partial(_deg_body, n_pad, chunks),
        out_type=(jax.ShapeDtypeStruct((n_pad,), jnp.float32),
                  jax.ShapeDtypeStruct((n_pad,), jnp.float32)),
        mesh=mesh,
        scratch_types=[
            pltpu.VMEM((CHUNK,), jnp.float32),
            pltpu.VMEM((chunks, CHUNK), jnp.int32),
            pltpu.VMEM_SHARED((n_pad,), jnp.float32),
            pltpu.VMEM((n_pad // NS,), jnp.float32),
            pltpu.SemaphoreType.DMA,
        ],
    )
    dst2 = dst_p.reshape(NW * chunks, CHUNK)
    deg0, deg1 = deg_k(dst2, ones_c, zeros_n)

    grid = next(gg for gg in (8, 10, 16, 20, 25, 40, 50, 125, n)
                if n % gg == 0 and (n // gg) % 8 == 0)
    block = n // grid
    mm_k = pl.pallas_call(
        _mm_body,
        grid=(grid,),
        in_specs=[
            pl.BlockSpec((block, d), lambda i: (i, 0)),
            pl.BlockSpec((d, d), lambda i: (0, 0)),
            pl.BlockSpec((block, 1), lambda i: (i, 0)),
            pl.BlockSpec((block, 1), lambda i: (i, 0)),
        ],
        out_specs=[
            pl.BlockSpec((block, d), lambda i: (i, 0)),
            pl.BlockSpec((block, 1), lambda i: (i, 0)),
        ],
        out_shape=[jax.ShapeDtypeStruct((n, d), jnp.float32),
                   jax.ShapeDtypeStruct((n, 1), jnp.float32)],
    )
    g, dinv = mm_k(x, W, deg0.reshape(n_pad, 1), deg1.reshape(n_pad, 1))

    agg_k = pl.kernel(
        functools.partial(_agg_body, n_pad, d, chunks),
        out_type=(jax.ShapeDtypeStruct((n_pad, d), jnp.float32),
                  jax.ShapeDtypeStruct((n_pad, d), jnp.float32)),
        mesh=mesh,
        scratch_types=[
            pltpu.VMEM((min(chunks, SEG_MAX), CHUNK), jnp.int32),
            pltpu.VMEM((min(chunks, SEG_MAX), CHUNK), jnp.int32),
            pltpu.VMEM((min(chunks, SEG_MAX), CHUNK), jnp.int32),
            pltpu.VMEM((min(chunks, SEG_MAX), CHUNK), jnp.int32),
            pltpu.VMEM((CHUNK, d), jnp.float32),
            pltpu.VMEM((CHUNK, d), jnp.float32),
            pltpu.VMEM_SHARED((n_pad, d), jnp.float32),
            pltpu.SemaphoreType.DMA,
            pltpu.SemaphoreType.DMA,
            pltpu.SemaphoreType.DMA,
            pltpu.SemaphoreType.DMA,
        ],
    )
    agg0, agg1 = agg_k(g, src_p.reshape(NW * chunks, CHUNK), dst2, zeros_nd)

    fin_k = pl.pallas_call(
        _fin_body,
        grid=(grid,),
        in_specs=[
            pl.BlockSpec((block, d), lambda i: (i, 0)),
            pl.BlockSpec((block, d), lambda i: (i, 0)),
            pl.BlockSpec((block, d), lambda i: (i, 0)),
            pl.BlockSpec((block, 1), lambda i: (i, 0)),
            pl.BlockSpec((1, d), lambda i: (0, 0)),
        ],
        out_specs=pl.BlockSpec((block, d), lambda i: (i, 0)),
        out_shape=jax.ShapeDtypeStruct((n, d), jnp.float32),
    )
    return fin_k(agg0, agg1, g, dinv, b.reshape(1, d))

# --- scband reference (transcript-rebuilt; emitter-appended) ---
"""Pipeline reference for scband-graph-encoder-43026982371787 (READ-ONLY COPY).

The authoritative reference and input builder live on the scoring server;
editing this copy changes nothing except your own understanding.
"""

import jax, jax.numpy as jnp
import numpy as np

N = 10000
E = 320000
D_IN = 128
D_OUT = 128


def setup_inputs(seed: int = 0) -> dict:
    key = jax.random.key(seed)
    k1, k2, k3 = jax.random.split(key, 3)
    x = jax.random.normal(k1, (N, D_IN), dtype=jnp.float32)
    edge_index = jax.random.randint(k2, (2, E), 0, N, dtype=jnp.int32)
    W = jax.random.normal(k3, (D_IN, D_OUT), dtype=jnp.float32) * (1.0 / np.sqrt(D_IN))
    b = jnp.zeros((D_OUT,), dtype=jnp.float32)
    return {"x": x, "edge_index": edge_index, "W": W, "b": b}


def reference(x, edge_index, W, b):
    # Faithful GCNConv (PyG semantics): add self-loops, symmetric normalization,
    # linear transform, scatter-add aggregation at target nodes, bias, then ReLU.
    n = x.shape[0]
    src = edge_index[0]
    dst = edge_index[1]
    loop = jnp.arange(n, dtype=src.dtype)
    src = jnp.concatenate([src, loop])
    dst = jnp.concatenate([dst, loop])
    # degree computed at target nodes with unit edge weights
    deg = jnp.zeros((n,), dtype=x.dtype).at[dst].add(1.0)
    deg_inv_sqrt = jnp.where(deg > 0, jax.lax.rsqrt(deg), 0.0)
    norm = deg_inv_sqrt[src] * deg_inv_sqrt[dst]
    h = x @ W
    msg = jnp.take(h, src, axis=0) * norm[:, None]
    agg = jnp.zeros((n, h.shape[1]), dtype=h.dtype).at[dst].add(msg)
    y = agg + b
    return jax.nn.relu(y)

if __name__ == "__main__":
    import jax
    _d = setup_inputs()
    print(jax.jit(kernel)(*tuple(_d.values())))

</pallas_src>

<mosaic_0001>
#map = affine_map<(d0, d1) -> (0, 0)>
module attributes {stable_mosaic.version = 14 : i64} {
  func.func @_agg_body(%arg0: i32, %arg1: i32, %arg2: memref<10000x128xf32, #tpu.memory_space<hbm>>, %arg3: memref<2560x128xi32, #tpu.memory_space<hbm>>, %arg4: memref<2560x128xi32, #tpu.memory_space<hbm>>, %arg5: memref<128x128xf32, #tpu.memory_space<hbm>>, %arg6: memref<10240x128xf32, #tpu.memory_space<hbm>>, %arg7: memref<10240x128xf32, #tpu.memory_space<hbm>>, %arg8: memref<24x128xi32, #tpu.memory_space<vmem>>, %arg9: memref<24x128xi32, #tpu.memory_space<vmem>>, %arg10: memref<24x128xi32, #tpu.memory_space<vmem>>, %arg11: memref<24x128xi32, #tpu.memory_space<vmem>>, %arg12: memref<128x128xf32, #tpu.memory_space<vmem>>, %arg13: memref<128x128xf32, #tpu.memory_space<vmem>>, %arg14: memref<10240x128xf32, #tpu.memory_space<vmem_shared>>, %arg15: memref<!tpu.dma_semaphore, #tpu.memory_space<semaphore_mem>>, %arg16: memref<!tpu.dma_semaphore, #tpu.memory_space<semaphore_mem>>, %arg17: memref<!tpu.dma_semaphore, #tpu.memory_space<semaphore_mem>>, %arg18: memref<!tpu.dma_semaphore, #tpu.memory_space<semaphore_mem>>) attributes {dimension_semantics = [#tpu.dimension_semantics<core_parallel>, #tpu.dimension_semantics<subcore_parallel>], iteration_bounds = array<i64: 2, 16>, scalar_prefetch = 0 : i64, scratch_operands = 11 : i64, tpu.core_type = #tpu.core_type<sc_vector_subcore>, window_params = [{transform_indices = #map}, {transform_indices = #map}, {transform_indices = #map}, {transform_indices = #map}, {transform_indices = #map}, {transform_indices = #map}]} {
    %mul3A = arith.constant 2 : i32
    %mul3A_0 = arith.muli %arg1, %mul3A : i32
    %add3A = arith.addi %mul3A_0, %arg0 : i32
    "tpu.region"() ({
      %run_scoped3A_305 = tpu.sem_alloc : memref<!tpu.dma_semaphore, #tpu.memory_space<semaphore_mem>>
      tpu.enqueue_dma source(%arg5 : memref<128x128xf32, #tpu.memory_space<hbm>>) target(%arg12 : memref<128x128xf32, #tpu.memory_space<vmem>>) target_semaphore(%run_scoped3A_305 : memref<!tpu.dma_semaphore, #tpu.memory_space<semaphore_mem>>)
      tpu.wait_dma2 semaphore(%run_scoped3A_305 : memref<!tpu.dma_semaphore, #tpu.memory_space<semaphore_mem>>) src(%arg5 : memref<128x128xf32, #tpu.memory_space<hbm>>) dst(%arg12 : memref<128x128xf32, #tpu.memory_space<vmem>>)
      tpu.yield
    }) : () -> ()
    %mul3A_1 = arith.constant 640 : i32
    %mul3A_2 = arith.muli %arg1, %mul3A_1 : i32
    %add3A_3 = arith.constant 0 : i32
    %add3A_4 = arith.addi %mul3A_2, %add3A_3 : i32
    "tpu.region"() ({
      %run_scoped3A_305 = tpu.sem_alloc : memref<!tpu.dma_semaphore, #tpu.memory_space<semaphore_mem>>
      %dma_start3A_306 = arith.constant 0 : i32
      %dma_start3A_307 = tpu.memref_slice %arg14[%add3A_4, %dma_start3A_306] : memref<10240x128xf32, #tpu.memory_space<vmem_shared>> -> memref<128x128xf32, #tpu.memory_space<vmem_shared>>
      %dma_start3A_308 = arith.constant 0 : i32
      %dma_start3A_309 = tpu.memref_slice %arg14[%add3A_4, %dma_start3A_308] : memref<10240x128xf32, #tpu.memory_space<vmem_shared>> -> memref<128x128xf32, #tpu.memory_space<vmem_shared>>
      tpu.enqueue_dma source(%arg12 : memref<128x128xf32, #tpu.memory_space<vmem>>) target(%dma_start3A_309 : memref<128x128xf32, #tpu.memory_space<vmem_shared>>) target_semaphore(%run_scoped3A_305 : memref<!tpu.dma_semaphore, #tpu.memory_space<semaphore_mem>>)
      %dma_wait3A_310 = arith.constant 0 : i32
      %dma_wait3A_311 = tpu.memref_slice %arg14[%add3A_4, %dma_wait3A_310] : memref<10240x128xf32, #tpu.memory_space<vmem_shared>> -> memref<128x128xf32, #tpu.memory_space<vmem_shared>>
      %dma_wait3A_312 = arith.constant 0 : i32
      %dma_wait3A_313 = tpu.memref_slice %arg14[%add3A_4, %dma_wait3A_312] : memref<10240x128xf32, #tpu.memory_space<vmem_shared>> -> memref<128x128xf32, #tpu.memory_space<vmem_shared>>
      tpu.wait_dma2 semaphore(%run_scoped3A_305 : memref<!tpu.dma_semaphore, #tpu.memory_space<semaphore_mem>>) src(%arg12 : memref<128x128xf32, #tpu.memory_space<vmem>>) dst(%dma_wait3A_313 : memref<128x128xf32, #tpu.memory_space<vmem_shared>>)
      tpu.yield
    }) : () -> ()
    %mul3A_5 = arith.constant 640 : i32
    %mul3A_6 = arith.muli %arg1, %mul3A_5 : i32
    %add3A_7 = arith.constant 128 : i32
    %add3A_8 = arith.addi %mul3A_6, %add3A_7 : i32
    "tpu.region"() ({
      %run_scoped3A_305 = tpu.sem_alloc : memref<!tpu.dma_semaphore, #tpu.memory_space<semaphore_mem>>
      %dma_start3A_306 = arith.constant 0 : i32
      %dma_start3A_307 = tpu.memref_slice %arg14[%add3A_8, %dma_start3A_306] : memref<10240x128xf32, #tpu.memory_space<vmem_shared>> -> memref<128x128xf32, #tpu.memory_space<vmem_shared>>
      %dma_start3A_308 = arith.constant 0 : i32
      %dma_start3A_309 = tpu.memref_slice %arg14[%add3A_8, %dma_start3A_308] : memref<10240x128xf32, #tpu.memory_space<vmem_shared>> -> memref<128x128xf32, #tpu.memory_space<vmem_shared>>
      tpu.enqueue_dma source(%arg12 : memref<128x128xf32, #tpu.memory_space<vmem>>) target(%dma_start3A_309 : memref<128x128xf32, #tpu.memory_space<vmem_shared>>) target_semaphore(%run_scoped3A_305 : memref<!tpu.dma_semaphore, #tpu.memory_space<semaphore_mem>>)
      %dma_wait3A_310 = arith.constant 0 : i32
      %dma_wait3A_311 = tpu.memref_slice %arg14[%add3A_8, %dma_wait3A_310] : memref<10240x128xf32, #tpu.memory_space<vmem_shared>> -> memref<128x128xf32, #tpu.memory_space<vmem_shared>>
      %dma_wait3A_312 = arith.constant 0 : i32
      %dma_wait3A_313 = tpu.memref_slice %arg14[%add3A_8, %dma_wait3A_312] : memref<10240x128xf32, #tpu.memory_space<vmem_shared>> -> memref<128x128xf32, #tpu.memory_space<vmem_shared>>
      tpu.wait_dma2 semaphore(%run_scoped3A_305 : memref<!tpu.dma_semaphore, #tpu.memory_space<semaphore_mem>>) src(%arg12 : memref<128x128xf32, #tpu.memory_space<vmem>>) dst(%dma_wait3A_313 : memref<128x128xf32, #tpu.memory_space<vmem_shared>>)
      tpu.yield
    }) : () -> ()
    %mul3A_9 = arith.constant 640 : i32
    %mul3A_10 = arith.muli %arg1, %mul3A_9 : i32
    %add3A_11 = arith.constant 256 : i32
    %add3A_12 = arith.addi %mul3A_10, %add3A_11 : i32
    "tpu.region"() ({
      %run_scoped3A_305 = tpu.sem_alloc : memref<!tpu.dma_semaphore, #tpu.memory_space<semaphore_mem>>
      %dma_start3A_306 = arith.constant 0 : i32
      %dma_start3A_307 = tpu.memref_slice %arg14[%add3A_12, %dma_start3A_306] : memref<10240x128xf32, #tpu.memory_space<vmem_shared>> -> memref<128x128xf32, #tpu.memory_space<vmem_shared>>
      %dma_start3A_308 = arith.constant 0 : i32
      %dma_start3A_309 = tpu.memref_slice %arg14[%add3A_12, %dma_start3A_308] : memref<10240x128xf32, #tpu.memory_space<vmem_shared>> -> memref<128x128xf32, #tpu.memory_space<vmem_shared>>
      tpu.enqueue_dma source(%arg12 : memref<128x128xf32, #tpu.memory_space<vmem>>) target(%dma_start3A_309 : memref<128x128xf32, #tpu.memory_space<vmem_shared>>) target_semaphore(%run_scoped3A_305 : memref<!tpu.dma_semaphore, #tpu.memory_space<semaphore_mem>>)
      %dma_wait3A_310 = arith.constant 0 : i32
      %dma_wait3A_311 = tpu.memref_slice %arg14[%add3A_12, %dma_wait3A_310] : memref<10240x128xf32, #tpu.memory_space<vmem_shared>> -> memref<128x128xf32, #tpu.memory_space<vmem_shared>>
      %dma_wait3A_312 = arith.constant 0 : i32
      %dma_wait3A_313 = tpu.memref_slice %arg14[%add3A_12, %dma_wait3A_312] : memref<10240x128xf32, #tpu.memory_space<vmem_shared>> -> memref<128x128xf32, #tpu.memory_space<vmem_shared>>
      tpu.wait_dma2 semaphore(%run_scoped3A_305 : memref<!tpu.dma_semaphore, #tpu.memory_space<semaphore_mem>>) src(%arg12 : memref<128x128xf32, #tpu.memory_space<vmem>>) dst(%dma_wait3A_313 : memref<128x128xf32, #tpu.memory_space<vmem_shared>>)
      tpu.yield
    }) : () -> ()
    %mul3A_13 = arith.constant 640 : i32
    %mul3A_14 = arith.muli %arg1, %mul3A_13 : i32
    %add3A_15 = arith.constant 384 : i32
    %add3A_16 = arith.addi %mul3A_14, %add3A_15 : i32
    "tpu.region"() ({
      %run_scoped3A_305 = tpu.sem_alloc : memref<!tpu.dma_semaphore, #tpu.memory_space<semaphore_mem>>
      %dma_start3A_306 = arith.constant 0 : i32
      %dma_start3A_307 = tpu.memref_slice %arg14[%add3A_16, %dma_start3A_306] : memref<10240x128xf32, #tpu.memory_space<vmem_shared>> -> memref<128x128xf32, #tpu.memory_space<vmem_shared>>
      %dma_start3A_308 = arith.constant 0 : i32
      %dma_start3A_309 = tpu.memref_slice %arg14[%add3A_16, %dma_start3A_308] : memref<10240x128xf32, #tpu.memory_space<vmem_shared>> -> memref<128x128xf32, #tpu.memory_space<vmem_shared>>
      tpu.enqueue_dma source(%arg12 : memref<128x128xf32, #tpu.memory_space<vmem>>) target(%dma_start3A_309 : memref<128x128xf32, #tpu.memory_space<vmem_shared>>) target_semaphore(%run_scoped3A_305 : memref<!tpu.dma_semaphore, #tpu.memory_space<semaphore_mem>>)
      %dma_wait3A_310 = arith.constant 0 : i32
      %dma_wait3A_311 = tpu.memref_slice %arg14[%add3A_16, %dma_wait3A_310] : memref<10240x128xf32, #tpu.memory_space<vmem_shared>> -> memref<128x128xf32, #tpu.memory_space<vmem_shared>>
      %dma_wait3A_312 = arith.constant 0 : i32
      %dma_wait3A_313 = tpu.memref_slice %arg14[%add3A_16, %dma_wait3A_312] : memref<10240x128xf32, #tpu.memory_space<vmem_shared>> -> memref<128x128xf32, #tpu.memory_space<vmem_shared>>
      tpu.wait_dma2 semaphore(%run_scoped3A_305 : memref<!tpu.dma_semaphore, #tpu.memory_space<semaphore_mem>>) src(%arg12 : memref<128x128xf32, #tpu.memory_space<vmem>>) dst(%dma_wait3A_313 : memref<128x128xf32, #tpu.memory_space<vmem_shared>>)
      tpu.yield
    }) : () -> ()
    %mul3A_17 = arith.constant 640 : i32
    %mul3A_18 = arith.muli %arg1, %mul3A_17 : i32
    %add3A_19 = arith.constant 512 : i32
    %add3A_20 = arith.addi %mul3A_18, %add3A_19 : i32
    "tpu.region"() ({
      %run_scoped3A_305 = tpu.sem_alloc : memref<!tpu.dma_semaphore, #tpu.memory_space<semaphore_mem>>
      %dma_start3A_306 = arith.constant 0 : i32
      %dma_start3A_307 = tpu.memref_slice %arg14[%add3A_20, %dma_start3A_306] : memref<10240x128xf32, #tpu.memory_space<vmem_shared>> -> memref<128x128xf32, #tpu.memory_space<vmem_shared>>
      %dma_start3A_308 = arith.constant 0 : i32
      %dma_start3A_309 = tpu.memref_slice %arg14[%add3A_20, %dma_start3A_308] : memref<10240x128xf32, #tpu.memory_space<vmem_shared>> -> memref<128x128xf32, #tpu.memory_space<vmem_shared>>
      tpu.enqueue_dma source(%arg12 : memref<128x128xf32, #tpu.memory_space<vmem>>) target(%dma_start3A_309 : memref<128x128xf32, #tpu.memory_space<vmem_shared>>) target_semaphore(%run_scoped3A_305 : memref<!tpu.dma_semaphore, #tpu.memory_space<semaphore_mem>>)
      %dma_wait3A_310 = arith.constant 0 : i32
      %dma_wait3A_311 = tpu.memref_slice %arg14[%add3A_20, %dma_wait3A_310] : memref<10240x128xf32, #tpu.memory_space<vmem_shared>> -> memref<128x128xf32, #tpu.memory_space<vmem_shared>>
      %dma_wait3A_312 = arith.constant 0 : i32
      %dma_wait3A_313 = tpu.memref_slice %arg14[%add3A_20, %dma_wait3A_312] : memref<10240x128xf32, #tpu.memory_space<vmem_shared>> -> memref<128x128xf32, #tpu.memory_space<vmem_shared>>
      tpu.wait_dma2 semaphore(%run_scoped3A_305 : memref<!tpu.dma_semaphore, #tpu.memory_space<semaphore_mem>>) src(%arg12 : memref<128x128xf32, #tpu.memory_space<vmem>>) dst(%dma_wait3A_313 : memref<128x128xf32, #tpu.memory_space<vmem_shared>>)
      tpu.yield
    }) : () -> ()
    %mul3A_21 = arith.constant 80 : i32
    %mul3A_22 = arith.muli %add3A, %mul3A_21 : i32
    "tpu.region"() ({
      %run_scoped3A_305 = tpu.sem_alloc : memref<!tpu.dma_semaphore, #tpu.memory_space<semaphore_mem>>
      %dma_start3A_306 = arith.constant 0 : i32
      %dma_start3A_307 = arith.constant 0 : i32
      %dma_start3A_308 = tpu.memref_slice %arg8[%dma_start3A_306, %dma_start3A_307] : memref<24x128xi32, #tpu.memory_space<vmem>> -> memref<24x128xi32, #tpu.memory_space<vmem>>
      %dma_start3A_309 = arith.constant 0 : i32
      %dma_start3A_310 = tpu.memref_slice %arg3[%mul3A_22, %dma_start3A_309] : memref<2560x128xi32, #tpu.memory_space<hbm>> -> memref<24x128xi32, #tpu.memory_space<hbm>>
      %dma_start3A_311 = arith.constant 0 : i32
      %dma_start3A_312 = arith.constant 0 : i32
      %dma_start3A_313 = tpu.memref_slice %arg8[%dma_start3A_311, %dma_start3A_312] : memref<24x128xi32, #tpu.memory_space<vmem>> -> memref<24x128xi32, #tpu.memory_space<vmem>>
      %dma_start3A_314 = arith.constant 0 : i32
      %dma_start3A_315 = tpu.memref_slice %arg3[%mul3A_22, %dma_start3A_314] : memref<2560x128xi32, #tpu.memory_space<hbm>> -> memref<24x128xi32, #tpu.memory_space<hbm>>
      tpu.enqueue_dma source(%dma_start3A_315 : memref<24x128xi32, #tpu.memory_space<hbm>>) target(%dma_start3A_313 : memref<24x128xi32, #tpu.memory_space<vmem>>) target_semaphore(%run_scoped3A_305 : memref<!tpu.dma_semaphore, #tpu.memory_space<semaphore_mem>>)
      %dma_wait3A_316 = arith.constant 0 : i32
      %dma_wait3A_317 = arith.constant 0 : i32
      %dma_wait3A_318 = tpu.memref_slice %arg8[%dma_wait3A_316, %dma_wait3A_317] : memref<24x128xi32, #tpu.memory_space<vmem>> -> memref<24x128xi32, #tpu.memory_space<vmem>>
      %dma_wait3A_319 = arith.constant 0 : i32
      %dma_wait3A_320 = tpu.memref_slice %arg3[%mul3A_22, %dma_wait3A_319] : memref<2560x128xi32, #tpu.memory_space<hbm>> -> memref<24x128xi32, #tpu.memory_space<hbm>>
      %dma_wait3A_321 = arith.constant 0 : i32
      %dma_wait3A_322 = arith.constant 0 : i32
      %dma_wait3A_323 = tpu.memref_slice %arg8[%dma_wait3A_321, %dma_wait3A_322] : memref<24x128xi32, #tpu.memory_space<vmem>> -> memref<24x128xi32, #tpu.memory_space<vmem>>
      %dma_wait3A_324 = arith.constant 0 : i32
      %dma_wait3A_325 = tpu.memref_slice %arg3[%mul3A_22, %dma_wait3A_324] : memref<2560x128xi32, #tpu.memory_space<hbm>> -> memref<24x128xi32, #tpu.memory_space<hbm>>
      tpu.wait_dma2 semaphore(%run_scoped3A_305 : memref<!tpu.dma_semaphore, #tpu.memory_space<semaphore_mem>>) src(%dma_wait3A_325 : memref<24x128xi32, #tpu.memory_space<hbm>>) dst(%dma_wait3A_323 : memref<24x128xi32, #tpu.memory_space<vmem>>)
      tpu.yield
    }) : () -> ()
    "tpu.region"() ({
      %run_scoped3A_305 = tpu.sem_alloc : memref<!tpu.dma_semaphore, #tpu.memory_space<semaphore_mem>>
      %dma_start3A_306 = arith.constant 0 : i32
      %dma_start3A_307 = arith.constant 0 : i32
      %dma_start3A_308 = tpu.memref_slice %arg9[%dma_start3A_306, %dma_start3A_307] : memref<24x128xi32, #tpu.memory_space<vmem>> -> memref<24x128xi32, #tpu.memory_space<vmem>>
      %dma_start3A_309 = arith.constant 0 : i32
      %dma_start3A_310 = tpu.memref_slice %arg4[%mul3A_22, %dma_start3A_309] : memref<2560x128xi32, #tpu.memory_space<hbm>> -> memref<24x128xi32, #tpu.memory_space<hbm>>
      %dma_start3A_311 = arith.constant 0 : i32
      %dma_start3A_312 = arith.constant 0 : i32
      %dma_start3A_313 = tpu.memref_slice %arg9[%dma_start3A_311, %dma_start3A_312] : memref<24x128xi32, #tpu.memory_space<vmem>> -> memref<24x128xi32, #tpu.memory_space<vmem>>
      %dma_start3A_314 = arith.constant 0 : i32
      %dma_start3A_315 = tpu.memref_slice %arg4[%mul3A_22, %dma_start3A_314] : memref<2560x128xi32, #tpu.memory_space<hbm>> -> memref<24x128xi32, #tpu.memory_space<hbm>>
      tpu.enqueue_dma source(%dma_start3A_315 : memref<24x128xi32, #tpu.memory_space<hbm>>) target(%dma_start3A_313 : memref<24x128xi32, #tpu.memory_space<vmem>>) target_semaphore(%run_scoped3A_305 : memref<!tpu.dma_semaphore, #tpu.memory_space<semaphore_mem>>)
      %dma_wait3A_316 = arith.constant 0 : i32
      %dma_wait3A_317 = arith.constant 0 : i32
      %dma_wait3A_318 = tpu.memref_slice %arg9[%dma_wait3A_316, %dma_wait3A_317] : memref<24x128xi32, #tpu.memory_space<vmem>> -> memref<24x128xi32, #tpu.memory_space<vmem>>
      %dma_wait3A_319 = arith.constant 0 : i32
      %dma_wait3A_320 = tpu.memref_slice %arg4[%mul3A_22, %dma_wait3A_319] : memref<2560x128xi32, #tpu.memory_space<hbm>> -> memref<24x128xi32, #tpu.memory_space<hbm>>
      %dma_wait3A_321 = arith.constant 0 : i32
      %dma_wait3A_322 = arith.constant 0 : i32
      %dma_wait3A_323 = tpu.memref_slice %arg9[%dma_wait3A_321, %dma_wait3A_322] : memref<24x128xi32, #tpu.memory_space<vmem>> -> memref<24x128xi32, #tpu.memory_space<vmem>>
      %dma_wait3A_324 = arith.constant 0 : i32
      %dma_wait3A_325 = tpu.memref_slice %arg4[%mul3A_22, %dma_wait3A_324] : memref<2560x128xi32, #tpu.memory_space<hbm>> -> memref<24x128xi32, #tpu.memory_space<hbm>>
      tpu.wait_dma2 semaphore(%run_scoped3A_305 : memref<!tpu.dma_semaphore, #tpu.memory_space<semaphore_mem>>) src(%dma_wait3A_325 : memref<24x128xi32, #tpu.memory_space<hbm>>) dst(%dma_wait3A_323 : memref<24x128xi32, #tpu.memory_space<vmem>>)
      tpu.yield
    }) : () -> ()
    %barrier3A = arith.constant 0 : index
    tpu.barrier barrier_id(%barrier3A)
    %dma_start3A = arith.constant 0 : i32
    %dma_start3A_23 = arith.constant 0 : i32
    %dma_start3A_24 = tpu.memref_slice %arg8[%dma_start3A, %dma_start3A_23] : memref<24x128xi32, #tpu.memory_space<vmem>> -> memref<1x128xi32, #tpu.memory_space<vmem>>
    %dma_start3A_25 = tpu.memref_squeeze %dma_start3A_24 : memref<1x128xi32, #tpu.memory_space<vmem>> -> memref<128xi32, #tpu.memory_space<vmem>>
    %dma_start3A_26 = arith.constant 0 : i32
    %dma_start3A_27 = arith.constant 0 : i32
    %dma_start3A_28 = tpu.memref_slice %arg2[%dma_start3A_26, %dma_start3A_27] : memref<10000x128xf32, #tpu.memory_space<hbm>> -> memref<10000x128xf32, #tpu.memory_space<hbm>>
    tpu.enqueue_indirect_dma source(%dma_start3A_28 : memref<10000x128xf32, #tpu.memory_space<hbm>>) target(%arg12 : memref<128x128xf32, #tpu.memory_space<vmem>>) offsets(%dma_start3A_25 : memref<128xi32, #tpu.memory_space<vmem>>) semaphore(%arg15 : memref<!tpu.dma_semaphore, #tpu.memory_space<semaphore_mem>>)
    %dma_start3A_29 = arith.constant 1 : i32
    %dma_start3A_30 = arith.constant 0 : i32
    %dma_start3A_31 = tpu.memref_slice %arg8[%dma_start3A_29, %dma_start3A_30] : memref<24x128xi32, #tpu.memory_space<vmem>> -> memref<1x128xi32, #tpu.memory_space<vmem>>
    %dma_start3A_32 = tpu.memref_squeeze %dma_start3A_31 : memref<1x128xi32, #tpu.memory_space<vmem>> -> memref<128xi32, #tpu.memory_space<vmem>>
    %dma_start3A_33 = arith.constant 0 : i32
    %dma_start3A_34 = arith.constant 0 : i32
    %dma_start3A_35 = tpu.memref_slice %arg2[%dma_start3A_33, %dma_start3A_34] : memref<10000x128xf32, #tpu.memory_space<hbm>> -> memref<10000x128xf32, #tpu.memory_space<hbm>>
    tpu.enqueue_indirect_dma source(%dma_start3A_35 : memref<10000x128xf32, #tpu.memory_space<hbm>>) target(%arg13 : memref<128x128xf32, #tpu.memory_space<vmem>>) offsets(%dma_start3A_32 : memref<128xi32, #tpu.memory_space<vmem>>) semaphore(%arg16 : memref<!tpu.dma_semaphore, #tpu.memory_space<semaphore_mem>>)
    %add3A_36 = arith.constant 0 : i32
    %add3A_37 = arith.addi %mul3A_22, %add3A_36 : i32
    %add3A_38 = arith.constant 24 : i32
    %add3A_39 = arith.addi %add3A_37, %add3A_38 : i32
    %dma_start3A_40 = arith.constant 0 : i32
    %dma_start3A_41 = arith.constant 0 : i32
    %dma_start3A_42 = tpu.memref_slice %arg10[%dma_start3A_40, %dma_start3A_41] : memref<24x128xi32, #tpu.memory_space<vmem>> -> memref<24x128xi32, #tpu.memory_space<vmem>>
    %dma_start3A_43 = arith.constant 0 : i32
    %dma_start3A_44 = tpu.memref_slice %arg3[%add3A_39, %dma_start3A_43] : memref<2560x128xi32, #tpu.memory_space<hbm>> -> memref<24x128xi32, #tpu.memory_space<hbm>>
    %dma_start3A_45 = arith.constant 0 : i32
    %dma_start3A_46 = arith.constant 0 : i32
    %dma_start3A_47 = tpu.memref_slice %arg10[%dma_start3A_45, %dma_start3A_46] : memref<24x128xi32, #tpu.memory_space<vmem>> -> memref<24x128xi32, #tpu.memory_space<vmem>>
    %dma_start3A_48 = arith.constant 0 : i32
    %dma_start3A_49 = tpu.memref_slice %arg3[%add3A_39, %dma_start3A_48] : memref<2560x128xi32, #tpu.memory_space<hbm>> -> memref<24x128xi32, #tpu.memory_space<hbm>>
    tpu.enqueue_dma source(%dma_start3A_49 : memref<24x128xi32, #tpu.memory_space<hbm>>) target(%dma_start3A_47 : memref<24x128xi32, #tpu.memory_space<vmem>>) target_semaphore(%arg17 : memref<!tpu.dma_semaphore, #tpu.memory_space<semaphore_mem>>)
    %dma_start3A_50 = arith.constant 0 : i32
    %dma_start3A_51 = arith.constant 0 : i32
    %dma_start3A_52 = tpu.memref_slice %arg11[%dma_start3A_50, %dma_start3A_51] : memref<24x128xi32, #tpu.memory_space<vmem>> -> memref<24x128xi32, #tpu.memory_space<vmem>>
    %dma_start3A_53 = arith.constant 0 : i32
    %dma_start3A_54 = tpu.memref_slice %arg4[%add3A_39, %dma_start3A_53] : memref<2560x128xi32, #tpu.memory_space<hbm>> -> memref<24x128xi32, #tpu.memory_space<hbm>>
    %dma_start3A_55 = arith.constant 0 : i32
    %dma_start3A_56 = arith.constant 0 : i32
    %dma_start3A_57 = tpu.memref_slice %arg11[%dma_start3A_55, %dma_start3A_56] : memref<24x128xi32, #tpu.memory_space<vmem>> -> memref<24x128xi32, #tpu.memory_space<vmem>>
    %dma_start3A_58 = arith.constant 0 : i32
    %dma_start3A_59 = tpu.memref_slice %arg4[%add3A_39, %dma_start3A_58] : memref<2560x128xi32, #tpu.memory_space<hbm>> -> memref<24x128xi32, #tpu.memory_space<hbm>>
    tpu.enqueue_dma source(%dma_start3A_59 : memref<24x128xi32, #tpu.memory_space<hbm>>) target(%dma_start3A_57 : memref<24x128xi32, #tpu.memory_space<vmem>>) target_semaphore(%arg18 : memref<!tpu.dma_semaphore, #tpu.memory_space<semaphore_mem>>)
    %scan3A = arith.constant 0 : i32
    %scan3A_60 = arith.constant 0 : i32
    %scan3A_61 = arith.constant 11 : i32
    %scan3A_62 = arith.addi %scan3A_60, %scan3A_61 : i32
    %scan3A_63 = arith.constant 1 : i32
    scf.for %scan3A_305 = %scan3A_60 to %scan3A_62 step %scan3A_63  : i32 {
      %mul3A_306 = arith.constant 2 : i32
      %mul3A_307 = arith.muli %mul3A_306, %scan3A_305 : i32
      %dma_wait3A_308 = arith.constant 0 : i32
      %dma_wait3A_309 = tpu.memref_slice %arg8[%mul3A_307, %dma_wait3A_308] : memref<24x128xi32, #tpu.memory_space<vmem>> -> memref<1x128xi32, #tpu.memory_space<vmem>>
      %dma_wait3A_310 = tpu.memref_squeeze %dma_wait3A_309 : memref<1x128xi32, #tpu.memory_space<vmem>> -> memref<128xi32, #tpu.memory_space<vmem>>
      %dma_wait3A_311 = arith.constant 0 : i32
      %dma_wait3A_312 = arith.constant 0 : i32
      %dma_wait3A_313 = tpu.memref_slice %arg2[%dma_wait3A_311, %dma_wait3A_312] : memref<10000x128xf32, #tpu.memory_space<hbm>> -> memref<10000x128xf32, #tpu.memory_space<hbm>>
      tpu.wait_indirect_dma semaphore(%arg15 : memref<!tpu.dma_semaphore, #tpu.memory_space<semaphore_mem>>) src(%dma_wait3A_313 : memref<10000x128xf32, #tpu.memory_space<hbm>>) dst(%arg12 : memref<128x128xf32, #tpu.memory_space<vmem>>)
      "tpu.region"() ({
        %run_scoped3A_340 = tpu.sem_alloc : memref<!tpu.dma_semaphore, #tpu.memory_space<semaphore_mem>>
        %dma_start3A_341 = arith.constant 0 : i32
        %dma_start3A_342 = tpu.memref_slice %arg9[%mul3A_307, %dma_start3A_341] : memref<24x128xi32, #tpu.memory_space<vmem>> -> memref<1x128xi32, #tpu.memory_space<vmem>>
        %dma_start3A_343 = tpu.memref_squeeze %dma_start3A_342 : memref<1x128xi32, #tpu.memory_space<vmem>> -> memref<128xi32, #tpu.memory_space<vmem>>
        %dma_start3A_344 = arith.constant 0 : i32
        %dma_start3A_345 = arith.constant 0 : i32
        %dma_start3A_346 = tpu.memref_slice %arg14[%dma_start3A_344, %dma_start3A_345] : memref<10240x128xf32, #tpu.memory_space<vmem_shared>> -> memref<10240x128xf32, #tpu.memory_space<vmem_shared>>
        tpu.enqueue_indirect_dma source(%arg12 : memref<128x128xf32, #tpu.memory_space<vmem>>) target(%dma_start3A_346 : memref<10240x128xf32, #tpu.memory_space<vmem_shared>>) offsets(%dma_start3A_343 : memref<128xi32, #tpu.memory_space<vmem>>) semaphore(%run_scoped3A_340 : memref<!tpu.dma_semaphore, #tpu.memory_space<semaphore_mem>>) {add = true}
        %dma_wait3A_347 = arith.constant 0 : i32
        %dma_wait3A_348 = tpu.memref_slice %arg9[%mul3A_307, %dma_wait3A_347] : memref<24x128xi32, #tpu.memory_space<vmem>> -> memref<1x128xi32, #tpu.memory_space<vmem>>
        %dma_wait3A_349 = tpu.memref_squeeze %dma_wait3A_348 : memref<1x128xi32, #tpu.memory_space<vmem>> -> memref<128xi32, #tpu.memory_space<vmem>>
        %dma_wait3A_350 = arith.constant 0 : i32
        %dma_wait3A_351 = arith.constant 0 : i32
        %dma_wait3A_352 = tpu.memref_slice %arg14[%dma_wait3A_350, %dma_wait3A_351] : memref<10240x128xf32, #tpu.memory_space<vmem_shared>> -> memref<10240x128xf32, #tpu.memory_space<vmem_shared>>
        tpu.wait_indirect_dma semaphore(%run_scoped3A_340 : memref<!tpu.dma_semaphore, #tpu.memory_space<semaphore_mem>>) src(%arg12 : memref<128x128xf32, #tpu.memory_space<vmem>>) dst(%dma_wait3A_352 : memref<10240x128xf32, #tpu.memory_space<vmem_shared>>)
        tpu.yield
      }) : () -> ()
      %add3A_314 = arith.constant 2 : i32
      %add3A_315 = arith.addi %mul3A_307, %add3A_314 : i32
      %dma_start3A_316 = arith.constant 0 : i32
      %dma_start3A_317 = tpu.memref_slice %arg8[%add3A_315, %dma_start3A_316] : memref<24x128xi32, #tpu.memory_space<vmem>> -> memref<1x128xi32, #tpu.memory_space<vmem>>
      %dma_start3A_318 = tpu.memref_squeeze %dma_start3A_317 : memref<1x128xi32, #tpu.memory_space<vmem>> -> memref<128xi32, #tpu.memory_space<vmem>>
      %dma_start3A_319 = arith.constant 0 : i32
      %dma_start3A_320 = arith.constant 0 : i32
      %dma_start3A_321 = tpu.memref_slice %arg2[%dma_start3A_319, %dma_start3A_320] : memref<10000x128xf32, #tpu.memory_space<hbm>> -> memref<10000x128xf32, #tpu.memory_space<hbm>>
      tpu.enqueue_indirect_dma source(%dma_start3A_321 : memref<10000x128xf32, #tpu.memory_space<hbm>>) target(%arg12 : memref<128x128xf32, #tpu.memory_space<vmem>>) offsets(%dma_start3A_318 : memref<128xi32, #tpu.memory_space<vmem>>) semaphore(%arg15 : memref<!tpu.dma_semaphore, #tpu.memory_space<semaphore_mem>>)
      %add3A_322 = arith.constant 1 : i32
      %add3A_323 = arith.addi %mul3A_307, %add3A_322 : i32
      %dma_wait3A_324 = arith.constant 0 : i32
      %dma_wait3A_325 = tpu.memref_slice %arg8[%add3A_323, %dma_wait3A_324] : memref<24x128xi32, #tpu.memory_space<vmem>> -> memref<1x128xi32, #tpu.memory_space<vmem>>
      %dma_wait3A_326 = tpu.memref_squeeze %dma_wait3A_325 : memref<1x128xi32, #tpu.memory_space<vmem>> -> memref<128xi32, #tpu.memory_space<vmem>>
      %dma_wait3A_327 = arith.constant 0 : i32
      %dma_wait3A_328 = arith.constant 0 : i32
      %dma_wait3A_329 = tpu.memref_slice %arg2[%dma_wait3A_327, %dma_wait3A_328] : memref<10000x128xf32, #tpu.memory_space<hbm>> -> memref<10000x128xf32, #tpu.memory_space<hbm>>
      tpu.wait_indirect_dma semaphore(%arg16 : memref<!tpu.dma_semaphore, #tpu.memory_space<semaphore_mem>>) src(%dma_wait3A_329 : memref<10000x128xf32, #tpu.memory_space<hbm>>) dst(%arg13 : memref<128x128xf32, #tpu.memory_space<vmem>>)
      %add3A_330 = arith.constant 1 : i32
      %add3A_331 = arith.addi %mul3A_307, %add3A_330 : i32
      "tpu.region"() ({
        %run_scoped3A_340 = tpu.sem_alloc : memref<!tpu.dma_semaphore, #tpu.memory_space<semaphore_mem>>
        %dma_start3A_341 = arith.constant 0 : i32
        %dma_start3A_342 = tpu.memref_slice %arg9[%add3A_331, %dma_start3A_341] : memref<24x128xi32, #tpu.memory_space<vmem>> -> memref<1x128xi32, #tpu.memory_space<vmem>>
        %dma_start3A_343 = tpu.memref_squeeze %dma_start3A_342 : memref<1x128xi32, #tpu.memory_space<vmem>> -> memref<128xi32, #tpu.memory_space<vmem>>
        %dma_start3A_344 = arith.constant 0 : i32
        %dma_start3A_345 = arith.constant 0 : i32
        %dma_start3A_346 = tpu.memref_slice %arg14[%dma_start3A_344, %dma_start3A_345] : memref<10240x128xf32, #tpu.memory_space<vmem_shared>> -> memref<10240x128xf32, #tpu.memory_space<vmem_shared>>
        tpu.enqueue_indirect_dma source(%arg13 : memref<128x128xf32, #tpu.memory_space<vmem>>) target(%dma_start3A_346 : memref<10240x128xf32, #tpu.memory_space<vmem_shared>>) offsets(%dma_start3A_343 : memref<128xi32, #tpu.memory_space<vmem>>) semaphore(%run_scoped3A_340 : memref<!tpu.dma_semaphore, #tpu.memory_space<semaphore_mem>>) {add = true}
        %dma_wait3A_347 = arith.constant 0 : i32
        %dma_wait3A_348 = tpu.memref_slice %arg9[%add3A_331, %dma_wait3A_347] : memref<24x128xi32, #tpu.memory_space<vmem>> -> memref<1x128xi32, #tpu.memory_space<vmem>>
        %dma_wait3A_349 = tpu.memref_squeeze %dma_wait3A_348 : memref<1x128xi32, #tpu.memory_space<vmem>> -> memref<128xi32, #tpu.memory_space<vmem>>
        %dma_wait3A_350 = arith.constant 0 : i32
        %dma_wait3A_351 = arith.constant 0 : i32
        %dma_wait3A_352 = tpu.memref_slice %arg14[%dma_wait3A_350, %dma_wait3A_351] : memref<10240x128xf32, #tpu.memory_space<vmem_shared>> -> memref<10240x128xf32, #tpu.memory_space<vmem_shared>>
        tpu.wait_indirect_dma semaphore(%run_scoped3A_340 : memref<!tpu.dma_semaphore, #tpu.memory_space<semaphore_mem>>) src(%arg13 : memref<128x128xf32, #tpu.memory_space<vmem>>) dst(%dma_wait3A_352 : memref<10240x128xf32, #tpu.memory_space<vmem_shared>>)
        tpu.yield
      }) : () -> ()
      %add3A_332 = arith.constant 3 : i32
      %add3A_333 = arith.addi %mul3A_307, %add3A_332 : i32
      %dma_start3A_334 = arith.constant 0 : i32
      %dma_start3A_335 = tpu.memref_slice %arg8[%add3A_333, %dma_start3A_334] : memref<24x128xi32, #tpu.memory_space<vmem>> -> memref<1x128xi32, #tpu.memory_space<vmem>>
      %dma_start3A_336 = tpu.memref_squeeze %dma_start3A_335 : memref<1x128xi32, #tpu.memory_space<vmem>> -> memref<128xi32, #tpu.memory_space<vmem>>
      %dma_start3A_337 = arith.constant 0 : i32
      %dma_start3A_338 = arith.constant 0 : i32
      %dma_start3A_339 = tpu.memref_slice %arg2[%dma_start3A_337, %dma_start3A_338] : memref<10000x128xf32, #tpu.memory_space<hbm>> -> memref<10000x128xf32, #tpu.memory_space<hbm>>
      tpu.enqueue_indirect_dma source(%dma_start3A_339 : memref<10000x128xf32, #tpu.memory_space<hbm>>) target(%arg13 : memref<128x128xf32, #tpu.memory_space<vmem>>) offsets(%dma_start3A_336 : memref<128xi32, #tpu.memory_space<vmem>>) semaphore(%arg16 : memref<!tpu.dma_semaphore, #tpu.memory_space<semaphore_mem>>)
    }
    %scan3A_64 = arith.constant 11 : i32
    %dma_wait3A = arith.constant 22 : i32
    %dma_wait3A_65 = arith.constant 0 : i32
    %dma_wait3A_66 = tpu.memref_slice %arg8[%dma_wait3A, %dma_wait3A_65] : memref<24x128xi32, #tpu.memory_space<vmem>> -> memref<1x128xi32, #tpu.memory_space<vmem>>
    %dma_wait3A_67 = tpu.memref_squeeze %dma_wait3A_66 : memref<1x128xi32, #tpu.memory_space<vmem>> -> memref<128xi32, #tpu.memory_space<vmem>>
    %dma_wait3A_68 = arith.constant 0 : i32
    %dma_wait3A_69 = arith.constant 0 : i32
    %dma_wait3A_70 = tpu.memref_slice %arg2[%dma_wait3A_68, %dma_wait3A_69] : memref<10000x128xf32, #tpu.memory_space<hbm>> -> memref<10000x128xf32, #tpu.memory_space<hbm>>
    tpu.wait_indirect_dma semaphore(%arg15 : memref<!tpu.dma_semaphore, #tpu.memory_space<semaphore_mem>>) src(%dma_wait3A_70 : memref<10000x128xf32, #tpu.memory_space<hbm>>) dst(%arg12 : memref<128x128xf32, #tpu.memory_space<vmem>>)
    %run_scoped3A = arith.constant 22 : i32
    "tpu.region"() ({
      %run_scoped3A_305 = tpu.sem_alloc : memref<!tpu.dma_semaphore, #tpu.memory_space<semaphore_mem>>
      %dma_start3A_306 = arith.constant 0 : i32
      %dma_start3A_307 = tpu.memref_slice %arg9[%run_scoped3A, %dma_start3A_306] : memref<24x128xi32, #tpu.memory_space<vmem>> -> memref<1x128xi32, #tpu.memory_space<vmem>>
      %dma_start3A_308 = tpu.memref_squeeze %dma_start3A_307 : memref<1x128xi32, #tpu.memory_space<vmem>> -> memref<128xi32, #tpu.memory_space<vmem>>
      %dma_start3A_309 = arith.constant 0 : i32
      %dma_start3A_310 = arith.constant 0 : i32
      %dma_start3A_311 = tpu.memref_slice %arg14[%dma_start3A_309, %dma_start3A_310] : memref<10240x128xf32, #tpu.memory_space<vmem_shared>> -> memref<10240x128xf32, #tpu.memory_space<vmem_shared>>
      tpu.enqueue_indirect_dma source(%arg12 : memref<128x128xf32, #tpu.memory_space<vmem>>) target(%dma_start3A_311 : memref<10240x128xf32, #tpu.memory_space<vmem_shared>>) offsets(%dma_start3A_308 : memref<128xi32, #tpu.memory_space<vmem>>) semaphore(%run_scoped3A_305 : memref<!tpu.dma_semaphore, #tpu.memory_space<semaphore_mem>>) {add = true}
      %dma_wait3A_312 = arith.constant 0 : i32
      %dma_wait3A_313 = tpu.memref_slice %arg9[%run_scoped3A, %dma_wait3A_312] : memref<24x128xi32, #tpu.memory_space<vmem>> -> memref<1x128xi32, #tpu.memory_space<vmem>>
      %dma_wait3A_314 = tpu.memref_squeeze %dma_wait3A_313 : memref<1x128xi32, #tpu.memory_space<vmem>> -> memref<128xi32, #tpu.memory_space<vmem>>
      %dma_wait3A_315 = arith.constant 0 : i32
      %dma_wait3A_316 = arith.constant 0 : i32
      %dma_wait3A_317 = tpu.memref_slice %arg14[%dma_wait3A_315, %dma_wait3A_316] : memref<10240x128xf32, #tpu.memory_space<vmem_shared>> -> memref<10240x128xf32, #tpu.memory_space<vmem_shared>>
      tpu.wait_indirect_dma semaphore(%run_scoped3A_305 : memref<!tpu.dma_semaphore, #tpu.memory_space<semaphore_mem>>) src(%arg12 : memref<128x128xf32, #tpu.memory_space<vmem>>) dst(%dma_wait3A_317 : memref<10240x128xf32, #tpu.memory_space<vmem_shared>>)
      tpu.yield
    }) : () -> ()
    %dma_wait3A_71 = arith.constant 0 : i32
    %dma_wait3A_72 = arith.constant 0 : i32
    %dma_wait3A_73 = tpu.memref_slice %arg10[%dma_wait3A_71, %dma_wait3A_72] : memref<24x128xi32, #tpu.memory_space<vmem>> -> memref<24x128xi32, #tpu.memory_space<vmem>>
    %dma_wait3A_74 = arith.constant 0 : i32
    %dma_wait3A_75 = tpu.memref_slice %arg3[%mul3A_22, %dma_wait3A_74] : memref<2560x128xi32, #tpu.memory_space<hbm>> -> memref<24x128xi32, #tpu.memory_space<hbm>>
    %dma_wait3A_76 = arith.constant 0 : i32
    %dma_wait3A_77 = arith.constant 0 : i32
    %dma_wait3A_78 = tpu.memref_slice %arg10[%dma_wait3A_76, %dma_wait3A_77] : memref<24x128xi32, #tpu.memory_space<vmem>> -> memref<24x128xi32, #tpu.memory_space<vmem>>
    %dma_wait3A_79 = arith.constant 0 : i32
    %dma_wait3A_80 = tpu.memref_slice %arg3[%mul3A_22, %dma_wait3A_79] : memref<2560x128xi32, #tpu.memory_space<hbm>> -> memref<24x128xi32, #tpu.memory_space<hbm>>
    tpu.wait_dma2 semaphore(%arg17 : memref<!tpu.dma_semaphore, #tpu.memory_space<semaphore_mem>>) src(%dma_wait3A_80 : memref<24x128xi32, #tpu.memory_space<hbm>>) dst(%dma_wait3A_78 : memref<24x128xi32, #tpu.memory_space<vmem>>)
    %dma_start3A_81 = arith.constant 0 : i32
    %dma_start3A_82 = arith.constant 0 : i32
    %dma_start3A_83 = tpu.memref_slice %arg10[%dma_start3A_81, %dma_start3A_82] : memref<24x128xi32, #tpu.memory_space<vmem>> -> memref<1x128xi32, #tpu.memory_space<vmem>>
    %dma_start3A_84 = tpu.memref_squeeze %dma_start3A_83 : memref<1x128xi32, #tpu.memory_space<vmem>> -> memref<128xi32, #tpu.memory_space<vmem>>
    %dma_start3A_85 = arith.constant 0 : i32
    %dma_start3A_86 = arith.constant 0 : i32
    %dma_start3A_87 = tpu.memref_slice %arg2[%dma_start3A_85, %dma_start3A_86] : memref<10000x128xf32, #tpu.memory_space<hbm>> -> memref<10000x128xf32, #tpu.memory_space<hbm>>
    tpu.enqueue_indirect_dma source(%dma_start3A_87 : memref<10000x128xf32, #tpu.memory_space<hbm>>) target(%arg12 : memref<128x128xf32, #tpu.memory_space<vmem>>) offsets(%dma_start3A_84 : memref<128xi32, #tpu.memory_space<vmem>>) semaphore(%arg15 : memref<!tpu.dma_semaphore, #tpu.memory_space<semaphore_mem>>)
    %dma_wait3A_88 = arith.constant 23 : i32
    %dma_wait3A_89 = arith.constant 0 : i32
    %dma_wait3A_90 = tpu.memref_slice %arg8[%dma_wait3A_88, %dma_wait3A_89] : memref<24x128xi32, #tpu.memory_space<vmem>> -> memref<1x128xi32, #tpu.memory_space<vmem>>
    %dma_wait3A_91 = tpu.memref_squeeze %dma_wait3A_90 : memref<1x128xi32, #tpu.memory_space<vmem>> -> memref<128xi32, #tpu.memory_space<vmem>>
    %dma_wait3A_92 = arith.constant 0 : i32
    %dma_wait3A_93 = arith.constant 0 : i32
    %dma_wait3A_94 = tpu.memref_slice %arg2[%dma_wait3A_92, %dma_wait3A_93] : memref<10000x128xf32, #tpu.memory_space<hbm>> -> memref<10000x128xf32, #tpu.memory_space<hbm>>
    tpu.wait_indirect_dma semaphore(%arg16 : memref<!tpu.dma_semaphore, #tpu.memory_space<semaphore_mem>>) src(%dma_wait3A_94 : memref<10000x128xf32, #tpu.memory_space<hbm>>) dst(%arg13 : memref<128x128xf32, #tpu.memory_space<vmem>>)
    %run_scoped3A_95 = arith.constant 23 : i32
    "tpu.region"() ({
      %run_scoped3A_305 = tpu.sem_alloc : memref<!tpu.dma_semaphore, #tpu.memory_space<semaphore_mem>>
      %dma_start3A_306 = arith.constant 0 : i32
      %dma_start3A_307 = tpu.memref_slice %arg9[%run_scoped3A_95, %dma_start3A_306] : memref<24x128xi32, #tpu.memory_space<vmem>> -> memref<1x128xi32, #tpu.memory_space<vmem>>
      %dma_start3A_308 = tpu.memref_squeeze %dma_start3A_307 : memref<1x128xi32, #tpu.memory_space<vmem>> -> memref<128xi32, #tpu.memory_space<vmem>>
      %dma_start3A_309 = arith.constant 0 : i32
      %dma_start3A_310 = arith.constant 0 : i32
      %dma_start3A_311 = tpu.memref_slice %arg14[%dma_start3A_309, %dma_start3A_310] : memref<10240x128xf32, #tpu.memory_space<vmem_shared>> -> memref<10240x128xf32, #tpu.memory_space<vmem_shared>>
      tpu.enqueue_indirect_dma source(%arg13 : memref<128x128xf32, #tpu.memory_space<vmem>>) target(%dma_start3A_311 : memref<10240x128xf32, #tpu.memory_space<vmem_shared>>) offsets(%dma_start3A_308 : memref<128xi32, #tpu.memory_space<vmem>>) semaphore(%run_scoped3A_305 : memref<!tpu.dma_semaphore, #tpu.memory_space<semaphore_mem>>) {add = true}
      %dma_wait3A_312 = arith.constant 0 : i32
      %dma_wait3A_313 = tpu.memref_slice %arg9[%run_scoped3A_95, %dma_wait3A_312] : memref<24x128xi32, #tpu.memory_space<vmem>> -> memref<1x128xi32, #tpu.memory_space<vmem>>
      %dma_wait3A_314 = tpu.memref_squeeze %dma_wait3A_313 : memref<1x128xi32, #tpu.memory_space<vmem>> -> memref<128xi32, #tpu.memory_space<vmem>>
      %dma_wait3A_315 = arith.constant 0 : i32
      %dma_wait3A_316 = arith.constant 0 : i32
      %dma_wait3A_317 = tpu.memref_slice %arg14[%dma_wait3A_315, %dma_wait3A_316] : memref<10240x128xf32, #tpu.memory_space<vmem_shared>> -> memref<10240x128xf32, #tpu.memory_space<vmem_shared>>
      tpu.wait_indirect_dma semaphore(%run_scoped3A_305 : memref<!tpu.dma_semaphore, #tpu.memory_space<semaphore_mem>>) src(%arg13 : memref<128x128xf32, #tpu.memory_space<vmem>>) dst(%dma_wait3A_317 : memref<10240x128xf32, #tpu.memory_space<vmem_shared>>)
      tpu.yield
    }) : () -> ()
    %dma_wait3A_96 = arith.constant 0 : i32
    %dma_wait3A_97 = arith.constant 0 : i32
    %dma_wait3A_98 = tpu.memref_slice %arg11[%dma_wait3A_96, %dma_wait3A_97] : memref<24x128xi32, #tpu.memory_space<vmem>> -> memref<24x128xi32, #tpu.memory_space<vmem>>
    %dma_wait3A_99 = arith.constant 0 : i32
    %dma_wait3A_100 = tpu.memref_slice %arg4[%mul3A_22, %dma_wait3A_99] : memref<2560x128xi32, #tpu.memory_space<hbm>> -> memref<24x128xi32, #tpu.memory_space<hbm>>
    %dma_wait3A_101 = arith.constant 0 : i32
    %dma_wait3A_102 = arith.constant 0 : i32
    %dma_wait3A_103 = tpu.memref_slice %arg11[%dma_wait3A_101, %dma_wait3A_102] : memref<24x128xi32, #tpu.memory_space<vmem>> -> memref<24x128xi32, #tpu.memory_space<vmem>>
    %dma_wait3A_104 = arith.constant 0 : i32
    %dma_wait3A_105 = tpu.memref_slice %arg4[%mul3A_22, %dma_wait3A_104] : memref<2560x128xi32, #tpu.memory_space<hbm>> -> memref<24x128xi32, #tpu.memory_space<hbm>>
    tpu.wait_dma2 semaphore(%arg18 : memref<!tpu.dma_semaphore, #tpu.memory_space<semaphore_mem>>) src(%dma_wait3A_105 : memref<24x128xi32, #tpu.memory_space<hbm>>) dst(%dma_wait3A_103 : memref<24x128xi32, #tpu.memory_space<vmem>>)
    %dma_start3A_106 = arith.constant 1 : i32
    %dma_start3A_107 = arith.constant 0 : i32
    %dma_start3A_108 = tpu.memref_slice %arg10[%dma_start3A_106, %dma_start3A_107] : memref<24x128xi32, #tpu.memory_space<vmem>> -> memref<1x128xi32, #tpu.memory_space<vmem>>
    %dma_start3A_109 = tpu.memref_squeeze %dma_start3A_108 : memref<1x128xi32, #tpu.memory_space<vmem>> -> memref<128xi32, #tpu.memory_space<vmem>>
    %dma_start3A_110 = arith.constant 0 : i32
    %dma_start3A_111 = arith.constant 0 : i32
    %dma_start3A_112 = tpu.memref_slice %arg2[%dma_start3A_110, %dma_start3A_111] : memref<10000x128xf32, #tpu.memory_space<hbm>> -> memref<10000x128xf32, #tpu.memory_space<hbm>>
    tpu.enqueue_indirect_dma source(%dma_start3A_112 : memref<10000x128xf32, #tpu.memory_space<hbm>>) target(%arg13 : memref<128x128xf32, #tpu.memory_space<vmem>>) offsets(%dma_start3A_109 : memref<128xi32, #tpu.memory_space<vmem>>) semaphore(%arg16 : memref<!tpu.dma_semaphore, #tpu.memory_space<semaphore_mem>>)
    %add3A_113 = arith.constant 24 : i32
    %add3A_114 = arith.addi %mul3A_22, %add3A_113 : i32
    %add3A_115 = arith.constant 24 : i32
    %add3A_116 = arith.addi %add3A_114, %add3A_115 : i32
    %dma_start3A_117 = arith.constant 0 : i32
    %dma_start3A_118 = arith.constant 0 : i32
    %dma_start3A_119 = tpu.memref_slice %arg8[%dma_start3A_117, %dma_start3A_118] : memref<24x128xi32, #tpu.memory_space<vmem>> -> memref<24x128xi32, #tpu.memory_space<vmem>>
    %dma_start3A_120 = arith.constant 0 : i32
    %dma_start3A_121 = tpu.memref_slice %arg3[%add3A_116, %dma_start3A_120] : memref<2560x128xi32, #tpu.memory_space<hbm>> -> memref<24x128xi32, #tpu.memory_space<hbm>>
    %dma_start3A_122 = arith.constant 0 : i32
    %dma_start3A_123 = arith.constant 0 : i32
    %dma_start3A_124 = tpu.memref_slice %arg8[%dma_start3A_122, %dma_start3A_123] : memref<24x128xi32, #tpu.memory_space<vmem>> -> memref<24x128xi32, #tpu.memory_space<vmem>>
    %dma_start3A_125 = arith.constant 0 : i32
    %dma_start3A_126 = tpu.memref_slice %arg3[%add3A_116, %dma_start3A_125] : memref<2560x128xi32, #tpu.memory_space<hbm>> -> memref<24x128xi32, #tpu.memory_space<hbm>>
    tpu.enqueue_dma source(%dma_start3A_126 : memref<24x128xi32, #tpu.memory_space<hbm>>) target(%dma_start3A_124 : memref<24x128xi32, #tpu.memory_space<vmem>>) target_semaphore(%arg17 : memref<!tpu.dma_semaphore, #tpu.memory_space<semaphore_mem>>)
    %dma_start3A_127 = arith.constant 0 : i32
    %dma_start3A_128 = arith.constant 0 : i32
    %dma_start3A_129 = tpu.memref_slice %arg9[%dma_start3A_127, %dma_start3A_128] : memref<24x128xi32, #tpu.memory_space<vmem>> -> memref<24x128xi32, #tpu.memory_space<vmem>>
    %dma_start3A_130 = arith.constant 0 : i32
    %dma_start3A_131 = tpu.memref_slice %arg4[%add3A_116, %dma_start3A_130] : memref<2560x128xi32, #tpu.memory_space<hbm>> -> memref<24x128xi32, #tpu.memory_space<hbm>>
    %dma_start3A_132 = arith.constant 0 : i32
    %dma_start3A_133 = arith.constant 0 : i32
    %dma_start3A_134 = tpu.memref_slice %arg9[%dma_start3A_132, %dma_start3A_133] : memref<24x128xi32, #tpu.memory_space<vmem>> -> memref<24x128xi32, #tpu.memory_space<vmem>>
    %dma_start3A_135 = arith.constant 0 : i32
    %dma_start3A_136 = tpu.memref_slice %arg4[%add3A_116, %dma_start3A_135] : memref<2560x128xi32, #tpu.memory_space<hbm>> -> memref<24x128xi32, #tpu.memory_space<hbm>>
    tpu.enqueue_dma source(%dma_start3A_136 : memref<24x128xi32, #tpu.memory_space<hbm>>) target(%dma_start3A_134 : memref<24x128xi32, #tpu.memory_space<vmem>>) target_semaphore(%arg18 : memref<!tpu.dma_semaphore, #tpu.memory_space<semaphore_mem>>)
    %scan3A_137 = arith.constant 0 : i32
    %scan3A_138 = arith.constant 0 : i32
    %scan3A_139 = arith.constant 11 : i32
    %scan3A_140 = arith.addi %scan3A_138, %scan3A_139 : i32
    %scan3A_141 = arith.constant 1 : i32
    scf.for %scan3A_305 = %scan3A_138 to %scan3A_140 step %scan3A_141  : i32 {
      %mul3A_306 = arith.constant 2 : i32
      %mul3A_307 = arith.muli %mul3A_306, %scan3A_305 : i32
      %dma_wait3A_308 = arith.constant 0 : i32
      %dma_wait3A_309 = tpu.memref_slice %arg10[%mul3A_307, %dma_wait3A_308] : memref<24x128xi32, #tpu.memory_space<vmem>> -> memref<1x128xi32, #tpu.memory_space<vmem>>
      %dma_wait3A_310 = tpu.memref_squeeze %dma_wait3A_309 : memref<1x128xi32, #tpu.memory_space<vmem>> -> memref<128xi32, #tpu.memory_space<vmem>>
      %dma_wait3A_311 = arith.constant 0 : i32
      %dma_wait3A_312 = arith.constant 0 : i32
      %dma_wait3A_313 = tpu.memref_slice %arg2[%dma_wait3A_311, %dma_wait3A_312] : memref<10000x128xf32, #tpu.memory_space<hbm>> -> memref<10000x128xf32, #tpu.memory_space<hbm>>
      tpu.wait_indirect_dma semaphore(%arg15 : memref<!tpu.dma_semaphore, #tpu.memory_space<semaphore_mem>>) src(%dma_wait3A_313 : memref<10000x128xf32, #tpu.memory_space<hbm>>) dst(%arg12 : memref<128x128xf32, #tpu.memory_space<vmem>>)
      "tpu.region"() ({
        %run_scoped3A_340 = tpu.sem_alloc : memref<!tpu.dma_semaphore, #tpu.memory_space<semaphore_mem>>
        %dma_start3A_341 = arith.constant 0 : i32
        %dma_start3A_342 = tpu.memref_slice %arg11[%mul3A_307, %dma_start3A_341] : memref<24x128xi32, #tpu.memory_space<vmem>> -> memref<1x128xi32, #tpu.memory_space<vmem>>
        %dma_start3A_343 = tpu.memref_squeeze %dma_start3A_342 : memref<1x128xi32, #tpu.memory_space<vmem>> -> memref<128xi32, #tpu.memory_space<vmem>>
        %dma_start3A_344 = arith.constant 0 : i32
        %dma_start3A_345 = arith.constant 0 : i32
        %dma_start3A_346 = tpu.memref_slice %arg14[%dma_start3A_344, %dma_start3A_345] : memref<10240x128xf32, #tpu.memory_space<vmem_shared>> -> memref<10240x128xf32, #tpu.memory_space<vmem_shared>>
        tpu.enqueue_indirect_dma source(%arg12 : memref<128x128xf32, #tpu.memory_space<vmem>>) target(%dma_start3A_346 : memref<10240x128xf32, #tpu.memory_space<vmem_shared>>) offsets(%dma_start3A_343 : memref<128xi32, #tpu.memory_space<vmem>>) semaphore(%run_scoped3A_340 : memref<!tpu.dma_semaphore, #tpu.memory_space<semaphore_mem>>) {add = true}
        %dma_wait3A_347 = arith.constant 0 : i32
        %dma_wait3A_348 = tpu.memref_slice %arg11[%mul3A_307, %dma_wait3A_347] : memref<24x128xi32, #tpu.memory_space<vmem>> -> memref<1x128xi32, #tpu.memory_space<vmem>>
        %dma_wait3A_349 = tpu.memref_squeeze %dma_wait3A_348 : memref<1x128xi32, #tpu.memory_space<vmem>> -> memref<128xi32, #tpu.memory_space<vmem>>
        %dma_wait3A_350 = arith.constant 0 : i32
        %dma_wait3A_351 = arith.constant 0 : i32
        %dma_wait3A_352 = tpu.memref_slice %arg14[%dma_wait3A_350, %dma_wait3A_351] : memref<10240x128xf32, #tpu.memory_space<vmem_shared>> -> memref<10240x128xf32, #tpu.memory_space<vmem_shared>>
        tpu.wait_indirect_dma semaphore(%run_scoped3A_340 : memref<!tpu.dma_semaphore, #tpu.memory_space<semaphore_mem>>) src(%arg12 : memref<128x128xf32, #tpu.memory_space<vmem>>) dst(%dma_wait3A_352 : memref<10240x128xf32, #tpu.memory_space<vmem_shared>>)
        tpu.yield
      }) : () -> ()
      %add3A_314 = arith.constant 2 : i32
      %add3A_315 = arith.addi %mul3A_307, %add3A_314 : i32
      %dma_start3A_316 = arith.constant 0 : i32
      %dma_start3A_317 = tpu.memref_slice %arg10[%add3A_315, %dma_start3A_316] : memref<24x128xi32, #tpu.memory_space<vmem>> -> memref<1x128xi32, #tpu.memory_space<vmem>>
      %dma_start3A_318 = tpu.memref_squeeze %dma_start3A_317 : memref<1x128xi32, #tpu.memory_space<vmem>> -> memref<128xi32, #tpu.memory_space<vmem>>
      %dma_start3A_319 = arith.constant 0 : i32
      %dma_start3A_320 = arith.constant 0 : i32
      %dma_start3A_321 = tpu.memref_slice %arg2[%dma_start3A_319, %dma_start3A_320] : memref<10000x128xf32, #tpu.memory_space<hbm>> -> memref<10000x128xf32, #tpu.memory_space<hbm>>
      tpu.enqueue_indirect_dma source(%dma_start3A_321 : memref<10000x128xf32, #tpu.memory_space<hbm>>) target(%arg12 : memref<128x128xf32, #tpu.memory_space<vmem>>) offsets(%dma_start3A_318 : memref<128xi32, #tpu.memory_space<vmem>>) semaphore(%arg15 : memref<!tpu.dma_semaphore, #tpu.memory_space<semaphore_mem>>)
      %add3A_322 = arith.constant 1 : i32
      %add3A_323 = arith.addi %mul3A_307, %add3A_322 : i32
      %dma_wait3A_324 = arith.constant 0 : i32
      %dma_wait3A_325 = tpu.memref_slice %arg10[%add3A_323, %dma_wait3A_324] : memref<24x128xi32, #tpu.memory_space<vmem>> -> memref<1x128xi32, #tpu.memory_space<vmem>>
      %dma_wait3A_326 = tpu.memref_squeeze %dma_wait3A_325 : memref<1x128xi32, #tpu.memory_space<vmem>> -> memref<128xi32, #tpu.memory_space<vmem>>
      %dma_wait3A_327 = arith.constant 0 : i32
      %dma_wait3A_328 = arith.constant 0 : i32
      %dma_wait3A_329 = tpu.memref_slice %arg2[%dma_wait3A_327, %dma_wait3A_328] : memref<10000x128xf32, #tpu.memory_space<hbm>> -> memref<10000x128xf32, #tpu.memory_space<hbm>>
      tpu.wait_indirect_dma semaphore(%arg16 : memref<!tpu.dma_semaphore, #tpu.memory_space<semaphore_mem>>) src(%dma_wait3A_329 : memref<10000x128xf32, #tpu.memory_space<hbm>>) dst(%arg13 : memref<128x128xf32, #tpu.memory_space<vmem>>)
      %add3A_330 = arith.constant 1 : i32
      %add3A_331 = arith.addi %mul3A_307, %add3A_330 : i32
      "tpu.region"() ({
        %run_scoped3A_340 = tpu.sem_alloc : memref<!tpu.dma_semaphore, #tpu.memory_space<semaphore_mem>>
        %dma_start3A_341 = arith.constant 0 : i32
        %dma_start3A_342 = tpu.memref_slice %arg11[%add3A_331, %dma_start3A_341] : memref<24x128xi32, #tpu.memory_space<vmem>> -> memref<1x128xi32, #tpu.memory_space<vmem>>
        %dma_start3A_343 = tpu.memref_squeeze %dma_start3A_342 : memref<1x128xi32, #tpu.memory_space<vmem>> -> memref<128xi32, #tpu.memory_space<vmem>>
        %dma_start3A_344 = arith.constant 0 : i32
        %dma_start3A_345 = arith.constant 0 : i32
        %dma_start3A_346 = tpu.memref_slice %arg14[%dma_start3A_344, %dma_start3A_345] : memref<10240x128xf32, #tpu.memory_space<vmem_shared>> -> memref<10240x128xf32, #tpu.memory_space<vmem_shared>>
        tpu.enqueue_indirect_dma source(%arg13 : memref<128x128xf32, #tpu.memory_space<vmem>>) target(%dma_start3A_346 : memref<10240x128xf32, #tpu.memory_space<vmem_shared>>) offsets(%dma_start3A_343 : memref<128xi32, #tpu.memory_space<vmem>>) semaphore(%run_scoped3A_340 : memref<!tpu.dma_semaphore, #tpu.memory_space<semaphore_mem>>) {add = true}
        %dma_wait3A_347 = arith.constant 0 : i32
        %dma_wait3A_348 = tpu.memref_slice %arg11[%add3A_331, %dma_wait3A_347] : memref<24x128xi32, #tpu.memory_space<vmem>> -> memref<1x128xi32, #tpu.memory_space<vmem>>
        %dma_wait3A_349 = tpu.memref_squeeze %dma_wait3A_348 : memref<1x128xi32, #tpu.memory_space<vmem>> -> memref<128xi32, #tpu.memory_space<vmem>>
        %dma_wait3A_350 = arith.constant 0 : i32
        %dma_wait3A_351 = arith.constant 0 : i32
        %dma_wait3A_352 = tpu.memref_slice %arg14[%dma_wait3A_350, %dma_wait3A_351] : memref<10240x128xf32, #tpu.memory_space<vmem_shared>> -> memref<10240x128xf32, #tpu.memory_space<vmem_shared>>
        tpu.wait_indirect_dma semaphore(%run_scoped3A_340 : memref<!tpu.dma_semaphore, #tpu.memory_space<semaphore_mem>>) src(%arg13 : memref<128x128xf32, #tpu.memory_space<vmem>>) dst(%dma_wait3A_352 : memref<10240x128xf32, #tpu.memory_space<vmem_shared>>)
        tpu.yield
      }) : () -> ()
      %add3A_332 = arith.constant 3 : i32
      %add3A_333 = arith.addi %mul3A_307, %add3A_332 : i32
      %dma_start3A_334 = arith.constant 0 : i32
      %dma_start3A_335 = tpu.memref_slice %arg10[%add3A_333, %dma_start3A_334] : memref<24x128xi32, #tpu.memory_space<vmem>> -> memref<1x128xi32, #tpu.memory_space<vmem>>
      %dma_start3A_336 = tpu.memref_squeeze %dma_start3A_335 : memref<1x128xi32, #tpu.memory_space<vmem>> -> memref<128xi32, #tpu.memory_space<vmem>>
      %dma_start3A_337 = arith.constant 0 : i32
      %dma_start3A_338 = arith.constant 0 : i32
      %dma_start3A_339 = tpu.memref_slice %arg2[%dma_start3A_337, %dma_start3A_338] : memref<10000x128xf32, #tpu.memory_space<hbm>> -> memref<10000x128xf32, #tpu.memory_space<hbm>>
      tpu.enqueue_indirect_dma source(%dma_start3A_339 : memref<10000x128xf32, #tpu.memory_space<hbm>>) target(%arg13 : memref<128x128xf32, #tpu.memory_space<vmem>>) offsets(%dma_start3A_336 : memref<128xi32, #tpu.memory_space<vmem>>) semaphore(%arg16 : memref<!tpu.dma_semaphore, #tpu.memory_space<semaphore_mem>>)
    }
    %scan3A_142 = arith.constant 11 : i32
    %dma_wait3A_143 = arith.constant 22 : i32
    %dma_wait3A_144 = arith.constant 0 : i32
    %dma_wait3A_145 = tpu.memref_slice %arg10[%dma_wait3A_143, %dma_wait3A_144] : memref<24x128xi32, #tpu.memory_space<vmem>> -> memref<1x128xi32, #tpu.memory_space<vmem>>
    %dma_wait3A_146 = tpu.memref_squeeze %dma_wait3A_145 : memref<1x128xi32, #tpu.memory_space<vmem>> -> memref<128xi32, #tpu.memory_space<vmem>>
    %dma_wait3A_147 = arith.constant 0 : i32
    %dma_wait3A_148 = arith.constant 0 : i32
    %dma_wait3A_149 = tpu.memref_slice %arg2[%dma_wait3A_147, %dma_wait3A_148] : memref<10000x128xf32, #tpu.memory_space<hbm>> -> memref<10000x128xf32, #tpu.memory_space<hbm>>
    tpu.wait_indirect_dma semaphore(%arg15 : memref<!tpu.dma_semaphore, #tpu.memory_space<semaphore_mem>>) src(%dma_wait3A_149 : memref<10000x128xf32, #tpu.memory_space<hbm>>) dst(%arg12 : memref<128x128xf32, #tpu.memory_space<vmem>>)
    %run_scoped3A_150 = arith.constant 22 : i32
    "tpu.region"() ({
      %run_scoped3A_305 = tpu.sem_alloc : memref<!tpu.dma_semaphore, #tpu.memory_space<semaphore_mem>>
      %dma_start3A_306 = arith.constant 0 : i32
      %dma_start3A_307 = tpu.memref_slice %arg11[%run_scoped3A_150, %dma_start3A_306] : memref<24x128xi32, #tpu.memory_space<vmem>> -> memref<1x128xi32, #tpu.memory_space<vmem>>
      %dma_start3A_308 = tpu.memref_squeeze %dma_start3A_307 : memref<1x128xi32, #tpu.memory_space<vmem>> -> memref<128xi32, #tpu.memory_space<vmem>>
      %dma_start3A_309 = arith.constant 0 : i32
      %dma_start3A_310 = arith.constant 0 : i32
      %dma_start3A_311 = tpu.memref_slice %arg14[%dma_start3A_309, %dma_start3A_310] : memref<10240x128xf32, #tpu.memory_space<vmem_shared>> -> memref<10240x128xf32, #tpu.memory_space<vmem_shared>>
      tpu.enqueue_indirect_dma source(%arg12 : memref<128x128xf32, #tpu.memory_space<vmem>>) target(%dma_start3A_311 : memref<10240x128xf32, #tpu.memory_space<vmem_shared>>) offsets(%dma_start3A_308 : memref<128xi32, #tpu.memory_space<vmem>>) semaphore(%run_scoped3A_305 : memref<!tpu.dma_semaphore, #tpu.memory_space<semaphore_mem>>) {add = true}
      %dma_wait3A_312 = arith.constant 0 : i32
      %dma_wait3A_313 = tpu.memref_slice %arg11[%run_scoped3A_150, %dma_wait3A_312] : memref<24x128xi32, #tpu.memory_space<vmem>> -> memref<1x128xi32, #tpu.memory_space<vmem>>
      %dma_wait3A_314 = tpu.memref_squeeze %dma_wait3A_313 : memref<1x128xi32, #tpu.memory_space<vmem>> -> memref<128xi32, #tpu.memory_space<vmem>>
      %dma_wait3A_315 = arith.constant 0 : i32
      %dma_wait3A_316 = arith.constant 0 : i32
      %dma_wait3A_317 = tpu.memref_slice %arg14[%dma_wait3A_315, %dma_wait3A_316] : memref<10240x128xf32, #tpu.memory_space<vmem_shared>> -> memref<10240x128xf32, #tpu.memory_space<vmem_shared>>
      tpu.wait_indirect_dma semaphore(%run_scoped3A_305 : memref<!tpu.dma_semaphore, #tpu.memory_space<semaphore_mem>>) src(%arg12 : memref<128x128xf32, #tpu.memory_space<vmem>>) dst(%dma_wait3A_317 : memref<10240x128xf32, #tpu.memory_space<vmem_shared>>)
      tpu.yield
    }) : () -> ()
    %dma_wait3A_151 = arith.constant 0 : i32
    %dma_wait3A_152 = arith.constant 0 : i32
    %dma_wait3A_153 = tpu.memref_slice %arg8[%dma_wait3A_151, %dma_wait3A_152] : memref<24x128xi32, #tpu.memory_space<vmem>> -> memref<24x128xi32, #tpu.memory_space<vmem>>
    %dma_wait3A_154 = arith.constant 0 : i32
    %dma_wait3A_155 = tpu.memref_slice %arg3[%mul3A_22, %dma_wait3A_154] : memref<2560x128xi32, #tpu.memory_space<hbm>> -> memref<24x128xi32, #tpu.memory_space<hbm>>
    %dma_wait3A_156 = arith.constant 0 : i32
    %dma_wait3A_157 = arith.constant 0 : i32
    %dma_wait3A_158 = tpu.memref_slice %arg8[%dma_wait3A_156, %dma_wait3A_157] : memref<24x128xi32, #tpu.memory_space<vmem>> -> memref<24x128xi32, #tpu.memory_space<vmem>>
    %dma_wait3A_159 = arith.constant 0 : i32
    %dma_wait3A_160 = tpu.memref_slice %arg3[%mul3A_22, %dma_wait3A_159] : memref<2560x128xi32, #tpu.memory_space<hbm>> -> memref<24x128xi32, #tpu.memory_space<hbm>>
    tpu.wait_dma2 semaphore(%arg17 : memref<!tpu.dma_semaphore, #tpu.memory_space<semaphore_mem>>) src(%dma_wait3A_160 : memref<24x128xi32, #tpu.memory_space<hbm>>) dst(%dma_wait3A_158 : memref<24x128xi32, #tpu.memory_space<vmem>>)
    %dma_start3A_161 = arith.constant 0 : i32
    %dma_start3A_162 = arith.constant 0 : i32
    %dma_start3A_163 = tpu.memref_slice %arg8[%dma_start3A_161, %dma_start3A_162] : memref<24x128xi32, #tpu.memory_space<vmem>> -> memref<1x128xi32, #tpu.memory_space<vmem>>
    %dma_start3A_164 = tpu.memref_squeeze %dma_start3A_163 : memref<1x128xi32, #tpu.memory_space<vmem>> -> memref<128xi32, #tpu.memory_space<vmem>>
    %dma_start3A_165 = arith.constant 0 : i32
    %dma_start3A_166 = arith.constant 0 : i32
    %dma_start3A_167 = tpu.memref_slice %arg2[%dma_start3A_165, %dma_start3A_166] : memref<10000x128xf32, #tpu.memory_space<hbm>> -> memref<10000x128xf32, #tpu.memory_space<hbm>>
    tpu.enqueue_indirect_dma source(%dma_start3A_167 : memref<10000x128xf32, #tpu.memory_space<hbm>>) target(%arg12 : memref<128x128xf32, #tpu.memory_space<vmem>>) offsets(%dma_start3A_164 : memref<128xi32, #tpu.memory_space<vmem>>) semaphore(%arg15 : memref<!tpu.dma_semaphore, #tpu.memory_space<semaphore_mem>>)
    %dma_wait3A_168 = arith.constant 23 : i32
    %dma_wait3A_169 = arith.constant 0 : i32
    %dma_wait3A_170 = tpu.memref_slice %arg10[%dma_wait3A_168, %dma_wait3A_169] : memref<24x128xi32, #tpu.memory_space<vmem>> -> memref<1x128xi32, #tpu.memory_space<vmem>>
    %dma_wait3A_171 = tpu.memref_squeeze %dma_wait3A_170 : memref<1x128xi32, #tpu.memory_space<vmem>> -> memref<128xi32, #tpu.memory_space<vmem>>
    %dma_wait3A_172 = arith.constant 0 : i32
    %dma_wait3A_173 = arith.constant 0 : i32
    %dma_wait3A_174 = tpu.memref_slice %arg2[%dma_wait3A_172, %dma_wait3A_173] : memref<10000x128xf32, #tpu.memory_space<hbm>> -> memref<10000x128xf32, #tpu.memory_space<hbm>>
    tpu.wait_indirect_dma semaphore(%arg16 : memref<!tpu.dma_semaphore, #tpu.memory_space<semaphore_mem>>) src(%dma_wait3A_174 : memref<10000x128xf32, #tpu.memory_space<hbm>>) dst(%arg13 : memref<128x128xf32, #tpu.memory_space<vmem>>)
    %run_scoped3A_175 = arith.constant 23 : i32
    "tpu.region"() ({
      %run_scoped3A_305 = tpu.sem_alloc : memref<!tpu.dma_semaphore, #tpu.memory_space<semaphore_mem>>
      %dma_start3A_306 = arith.constant 0 : i32
      %dma_start3A_307 = tpu.memref_slice %arg11[%run_scoped3A_175, %dma_start3A_306] : memref<24x128xi32, #tpu.memory_space<vmem>> -> memref<1x128xi32, #tpu.memory_space<vmem>>
      %dma_start3A_308 = tpu.memref_squeeze %dma_start3A_307 : memref<1x128xi32, #tpu.memory_space<vmem>> -> memref<128xi32, #tpu.memory_space<vmem>>
      %dma_start3A_309 = arith.constant 0 : i32
      %dma_start3A_310 = arith.constant 0 : i32
      %dma_start3A_311 = tpu.memref_slice %arg14[%dma_start3A_309, %dma_start3A_310] : memref<10240x128xf32, #tpu.memory_space<vmem_shared>> -> memref<10240x128xf32, #tpu.memory_space<vmem_shared>>
      tpu.enqueue_indirect_dma source(%arg13 : memref<128x128xf32, #tpu.memory_space<vmem>>) target(%dma_start3A_311 : memref<10240x128xf32, #tpu.memory_space<vmem_shared>>) offsets(%dma_start3A_308 : memref<128xi32, #tpu.memory_space<vmem>>) semaphore(%run_scoped3A_305 : memref<!tpu.dma_semaphore, #tpu.memory_space<semaphore_mem>>) {add = true}
      %dma_wait3A_312 = arith.constant 0 : i32
      %dma_wait3A_313 = tpu.memref_slice %arg11[%run_scoped3A_175, %dma_wait3A_312] : memref<24x128xi32, #tpu.memory_space<vmem>> -> memref<1x128xi32, #tpu.memory_space<vmem>>
      %dma_wait3A_314 = tpu.memref_squeeze %dma_wait3A_313 : memref<1x128xi32, #tpu.memory_space<vmem>> -> memref<128xi32, #tpu.memory_space<vmem>>
      %dma_wait3A_315 = arith.constant 0 : i32
      %dma_wait3A_316 = arith.constant 0 : i32
      %dma_wait3A_317 = tpu.memref_slice %arg14[%dma_wait3A_315, %dma_wait3A_316] : memref<10240x128xf32, #tpu.memory_space<vmem_shared>> -> memref<10240x128xf32, #tpu.memory_space<vmem_shared>>
      tpu.wait_indirect_dma semaphore(%run_scoped3A_305 : memref<!tpu.dma_semaphore, #tpu.memory_space<semaphore_mem>>) src(%arg13 : memref<128x128xf32, #tpu.memory_space<vmem>>) dst(%dma_wait3A_317 : memref<10240x128xf32, #tpu.memory_space<vmem_shared>>)
      tpu.yield
    }) : () -> ()
    %dma_wait3A_176 = arith.constant 0 : i32
    %dma_wait3A_177 = arith.constant 0 : i32
    %dma_wait3A_178 = tpu.memref_slice %arg9[%dma_wait3A_176, %dma_wait3A_177] : memref<24x128xi32, #tpu.memory_space<vmem>> -> memref<24x128xi32, #tpu.memory_space<vmem>>
    %dma_wait3A_179 = arith.constant 0 : i32
    %dma_wait3A_180 = tpu.memref_slice %arg4[%mul3A_22, %dma_wait3A_179] : memref<2560x128xi32, #tpu.memory_space<hbm>> -> memref<24x128xi32, #tpu.memory_space<hbm>>
    %dma_wait3A_181 = arith.constant 0 : i32
    %dma_wait3A_182 = arith.constant 0 : i32
    %dma_wait3A_183 = tpu.memref_slice %arg9[%dma_wait3A_181, %dma_wait3A_182] : memref<24x128xi32, #tpu.memory_space<vmem>> -> memref<24x128xi32, #tpu.memory_space<vmem>>
    %dma_wait3A_184 = arith.constant 0 : i32
    %dma_wait3A_185 = tpu.memref_slice %arg4[%mul3A_22, %dma_wait3A_184] : memref<2560x128xi32, #tpu.memory_space<hbm>> -> memref<24x128xi32, #tpu.memory_space<hbm>>
    tpu.wait_dma2 semaphore(%arg18 : memref<!tpu.dma_semaphore, #tpu.memory_space<semaphore_mem>>) src(%dma_wait3A_185 : memref<24x128xi32, #tpu.memory_space<hbm>>) dst(%dma_wait3A_183 : memref<24x128xi32, #tpu.memory_space<vmem>>)
    %dma_start3A_186 = arith.constant 1 : i32
    %dma_start3A_187 = arith.constant 0 : i32
    %dma_start3A_188 = tpu.memref_slice %arg8[%dma_start3A_186, %dma_start3A_187] : memref<24x128xi32, #tpu.memory_space<vmem>> -> memref<1x128xi32, #tpu.memory_space<vmem>>
    %dma_start3A_189 = tpu.memref_squeeze %dma_start3A_188 : memref<1x128xi32, #tpu.memory_space<vmem>> -> memref<128xi32, #tpu.memory_space<vmem>>
    %dma_start3A_190 = arith.constant 0 : i32
    %dma_start3A_191 = arith.constant 0 : i32
    %dma_start3A_192 = tpu.memref_slice %arg2[%dma_start3A_190, %dma_start3A_191] : memref<10000x128xf32, #tpu.memory_space<hbm>> -> memref<10000x128xf32, #tpu.memory_space<hbm>>
    tpu.enqueue_indirect_dma source(%dma_start3A_192 : memref<10000x128xf32, #tpu.memory_space<hbm>>) target(%arg13 : memref<128x128xf32, #tpu.memory_space<vmem>>) offsets(%dma_start3A_189 : memref<128xi32, #tpu.memory_space<vmem>>) semaphore(%arg16 : memref<!tpu.dma_semaphore, #tpu.memory_space<semaphore_mem>>)
    %add3A_193 = arith.constant 48 : i32
    %add3A_194 = arith.addi %mul3A_22, %add3A_193 : i32
    %add3A_195 = arith.constant 24 : i32
    %add3A_196 = arith.addi %add3A_194, %add3A_195 : i32
    %dma_start3A_197 = arith.constant 0 : i32
    %dma_start3A_198 = arith.constant 0 : i32
    %dma_start3A_199 = tpu.memref_slice %arg10[%dma_start3A_197, %dma_start3A_198] : memref<24x128xi32, #tpu.memory_space<vmem>> -> memref<8x128xi32, #tpu.memory_space<vmem>>
    %dma_start3A_200 = arith.constant 0 : i32
    %dma_start3A_201 = tpu.memref_slice %arg3[%add3A_196, %dma_start3A_200] : memref<2560x128xi32, #tpu.memory_space<hbm>> -> memref<8x128xi32, #tpu.memory_space<hbm>>
    %dma_start3A_202 = arith.constant 0 : i32
    %dma_start3A_203 = arith.constant 0 : i32
    %dma_start3A_204 = tpu.memref_slice %arg10[%dma_start3A_202, %dma_start3A_203] : memref<24x128xi32, #tpu.memory_space<vmem>> -> memref<8x128xi32, #tpu.memory_space<vmem>>
    %dma_start3A_205 = arith.constant 0 : i32
    %dma_start3A_206 = tpu.memref_slice %arg3[%add3A_196, %dma_start3A_205] : memref<2560x128xi32, #tpu.memory_space<hbm>> -> memref<8x128xi32, #tpu.memory_space<hbm>>
    tpu.enqueue_dma source(%dma_start3A_206 : memref<8x128xi32, #tpu.memory_space<hbm>>) target(%dma_start3A_204 : memref<8x128xi32, #tpu.memory_space<vmem>>) target_semaphore(%arg17 : memref<!tpu.dma_semaphore, #tpu.memory_space<semaphore_mem>>)
    %dma_start3A_207 = arith.constant 0 : i32
    %dma_start3A_208 = arith.constant 0 : i32
    %dma_start3A_209 = tpu.memref_slice %arg11[%dma_start3A_207, %dma_start3A_208] : memref<24x128xi32, #tpu.memory_space<vmem>> -> memref<8x128xi32, #tpu.memory_space<vmem>>
    %dma_start3A_210 = arith.constant 0 : i32
    %dma_start3A_211 = tpu.memref_slice %arg4[%add3A_196, %dma_start3A_210] : memref<2560x128xi32, #tpu.memory_space<hbm>> -> memref<8x128xi32, #tpu.memory_space<hbm>>
    %dma_start3A_212 = arith.constant 0 : i32
    %dma_start3A_213 = arith.constant 0 : i32
    %dma_start3A_214 = tpu.memref_slice %arg11[%dma_start3A_212, %dma_start3A_213] : memref<24x128xi32, #tpu.memory_space<vmem>> -> memref<8x128xi32, #tpu.memory_space<vmem>>
    %dma_start3A_215 = arith.constant 0 : i32
    %dma_start3A_216 = tpu.memref_slice %arg4[%add3A_196, %dma_start3A_215] : memref<2560x128xi32, #tpu.memory_space<hbm>> -> memref<8x128xi32, #tpu.memory_space<hbm>>
    tpu.enqueue_dma source(%dma_start3A_216 : memref<8x128xi32, #tpu.memory_space<hbm>>) target(%dma_start3A_214 : memref<8x128xi32, #tpu.memory_space<vmem>>) target_semaphore(%arg18 : memref<!tpu.dma_semaphore, #tpu.memory_space<semaphore_mem>>)
    %scan3A_217 = arith.constant 0 : i32
    %scan3A_218 = arith.constant 0 : i32
    %scan3A_219 = arith.constant 11 : i32
    %scan3A_220 = arith.addi %scan3A_218, %scan3A_219 : i32
    %scan3A_221 = arith.constant 1 : i32
    scf.for %scan3A_305 = %scan3A_218 to %scan3A_220 step %scan3A_221  : i32 {
      %mul3A_306 = arith.constant 2 : i32
      %mul3A_307 = arith.muli %mul3A_306, %scan3A_305 : i32
      %dma_wait3A_308 = arith.constant 0 : i32
      %dma_wait3A_309 = tpu.memref_slice %arg8[%mul3A_307, %dma_wait3A_308] : memref<24x128xi32, #tpu.memory_space<vmem>> -> memref<1x128xi32, #tpu.memory_space<vmem>>
      %dma_wait3A_310 = tpu.memref_squeeze %dma_wait3A_309 : memref<1x128xi32, #tpu.memory_space<vmem>> -> memref<128xi32, #tpu.memory_space<vmem>>
      %dma_wait3A_311 = arith.constant 0 : i32
      %dma_wait3A_312 = arith.constant 0 : i32
      %dma_wait3A_313 = tpu.memref_slice %arg2[%dma_wait3A_311, %dma_wait3A_312] : memref<10000x128xf32, #tpu.memory_space<hbm>> -> memref<10000x128xf32, #tpu.memory_space<hbm>>
      tpu.wait_indirect_dma semaphore(%arg15 : memref<!tpu.dma_semaphore, #tpu.memory_space<semaphore_mem>>) src(%dma_wait3A_313 : memref<10000x128xf32, #tpu.memory_space<hbm>>) dst(%arg12 : memref<128x128xf32, #tpu.memory_space<vmem>>)
      "tpu.region"() ({
        %run_scoped3A_340 = tpu.sem_alloc : memref<!tpu.dma_semaphore, #tpu.memory_space<semaphore_mem>>
        %dma_start3A_341 = arith.constant 0 : i32
        %dma_start3A_342 = tpu.memref_slice %arg9[%mul3A_307, %dma_start3A_341] : memref<24x128xi32, #tpu.memory_space<vmem>> -> memref<1x128xi32, #tpu.memory_space<vmem>>
        %dma_start3A_343 = tpu.memref_squeeze %dma_start3A_342 : memref<1x128xi32, #tpu.memory_space<vmem>> -> memref<128xi32, #tpu.memory_space<vmem>>
        %dma_start3A_344 = arith.constant 0 : i32
        %dma_start3A_345 = arith.constant 0 : i32
        %dma_start3A_346 = tpu.memref_slice %arg14[%dma_start3A_344, %dma_start3A_345] : memref<10240x128xf32, #tpu.memory_space<vmem_shared>> -> memref<10240x128xf32, #tpu.memory_space<vmem_shared>>
        tpu.enqueue_indirect_dma source(%arg12 : memref<128x128xf32, #tpu.memory_space<vmem>>) target(%dma_start3A_346 : memref<10240x128xf32, #tpu.memory_space<vmem_shared>>) offsets(%dma_start3A_343 : memref<128xi32, #tpu.memory_space<vmem>>) semaphore(%run_scoped3A_340 : memref<!tpu.dma_semaphore, #tpu.memory_space<semaphore_mem>>) {add = true}
        %dma_wait3A_347 = arith.constant 0 : i32
        %dma_wait3A_348 = tpu.memref_slice %arg9[%mul3A_307, %dma_wait3A_347] : memref<24x128xi32, #tpu.memory_space<vmem>> -> memref<1x128xi32, #tpu.memory_space<vmem>>
        %dma_wait3A_349 = tpu.memref_squeeze %dma_wait3A_348 : memref<1x128xi32, #tpu.memory_space<vmem>> -> memref<128xi32, #tpu.memory_space<vmem>>
        %dma_wait3A_350 = arith.constant 0 : i32
        %dma_wait3A_351 = arith.constant 0 : i32
        %dma_wait3A_352 = tpu.memref_slice %arg14[%dma_wait3A_350, %dma_wait3A_351] : memref<10240x128xf32, #tpu.memory_space<vmem_shared>> -> memref<10240x128xf32, #tpu.memory_space<vmem_shared>>
        tpu.wait_indirect_dma semaphore(%run_scoped3A_340 : memref<!tpu.dma_semaphore, #tpu.memory_space<semaphore_mem>>) src(%arg12 : memref<128x128xf32, #tpu.memory_space<vmem>>) dst(%dma_wait3A_352 : memref<10240x128xf32, #tpu.memory_space<vmem_shared>>)
        tpu.yield
      }) : () -> ()
      %add3A_314 = arith.constant 2 : i32
      %add3A_315 = arith.addi %mul3A_307, %add3A_314 : i32
      %dma_start3A_316 = arith.constant 0 : i32
      %dma_start3A_317 = tpu.memref_slice %arg8[%add3A_315, %dma_start3A_316] : memref<24x128xi32, #tpu.memory_space<vmem>> -> memref<1x128xi32, #tpu.memory_space<vmem>>
      %dma_start3A_318 = tpu.memref_squeeze %dma_start3A_317 : memref<1x128xi32, #tpu.memory_space<vmem>> -> memref<128xi32, #tpu.memory_space<vmem>>
      %dma_start3A_319 = arith.constant 0 : i32
      %dma_start3A_320 = arith.constant 0 : i32
      %dma_start3A_321 = tpu.memref_slice %arg2[%dma_start3A_319, %dma_start3A_320] : memref<10000x128xf32, #tpu.memory_space<hbm>> -> memref<10000x128xf32, #tpu.memory_space<hbm>>
      tpu.enqueue_indirect_dma source(%dma_start3A_321 : memref<10000x128xf32, #tpu.memory_space<hbm>>) target(%arg12 : memref<128x128xf32, #tpu.memory_space<vmem>>) offsets(%dma_start3A_318 : memref<128xi32, #tpu.memory_space<vmem>>) semaphore(%arg15 : memref<!tpu.dma_semaphore, #tpu.memory_space<semaphore_mem>>)
      %add3A_322 = arith.constant 1 : i32
      %add3A_323 = arith.addi %mul3A_307, %add3A_322 : i32
      %dma_wait3A_324 = arith.constant 0 : i32
      %dma_wait3A_325 = tpu.memref_slice %arg8[%add3A_323, %dma_wait3A_324] : memref<24x128xi32, #tpu.memory_space<vmem>> -> memref<1x128xi32, #tpu.memory_space<vmem>>
      %dma_wait3A_326 = tpu.memref_squeeze %dma_wait3A_325 : memref<1x128xi32, #tpu.memory_space<vmem>> -> memref<128xi32, #tpu.memory_space<vmem>>
      %dma_wait3A_327 = arith.constant 0 : i32
      %dma_wait3A_328 = arith.constant 0 : i32
      %dma_wait3A_329 = tpu.memref_slice %arg2[%dma_wait3A_327, %dma_wait3A_328] : memref<10000x128xf32, #tpu.memory_space<hbm>> -> memref<10000x128xf32, #tpu.memory_space<hbm>>
      tpu.wait_indirect_dma semaphore(%arg16 : memref<!tpu.dma_semaphore, #tpu.memory_space<semaphore_mem>>) src(%dma_wait3A_329 : memref<10000x128xf32, #tpu.memory_space<hbm>>) dst(%arg13 : memref<128x128xf32, #tpu.memory_space<vmem>>)
      %add3A_330 = arith.constant 1 : i32
      %add3A_331 = arith.addi %mul3A_307, %add3A_330 : i32
      "tpu.region"() ({
        %run_scoped3A_340 = tpu.sem_alloc : memref<!tpu.dma_semaphore, #tpu.memory_space<semaphore_mem>>
        %dma_start3A_341 = arith.constant 0 : i32
        %dma_start3A_342 = tpu.memref_slice %arg9[%add3A_331, %dma_start3A_341] : memref<24x128xi32, #tpu.memory_space<vmem>> -> memref<1x128xi32, #tpu.memory_space<vmem>>
        %dma_start3A_343 = tpu.memref_squeeze %dma_start3A_342 : memref<1x128xi32, #tpu.memory_space<vmem>> -> memref<128xi32, #tpu.memory_space<vmem>>
        %dma_start3A_344 = arith.constant 0 : i32
        %dma_start3A_345 = arith.constant 0 : i32
        %dma_start3A_346 = tpu.memref_slice %arg14[%dma_start3A_344, %dma_start3A_345] : memref<10240x128xf32, #tpu.memory_space<vmem_shared>> -> memref<10240x128xf32, #tpu.memory_space<vmem_shared>>
        tpu.enqueue_indirect_dma source(%arg13 : memref<128x128xf32, #tpu.memory_space<vmem>>) target(%dma_start3A_346 : memref<10240x128xf32, #tpu.memory_space<vmem_shared>>) offsets(%dma_start3A_343 : memref<128xi32, #tpu.memory_space<vmem>>) semaphore(%run_scoped3A_340 : memref<!tpu.dma_semaphore, #tpu.memory_space<semaphore_mem>>) {add = true}
        %dma_wait3A_347 = arith.constant 0 : i32
        %dma_wait3A_348 = tpu.memref_slice %arg9[%add3A_331, %dma_wait3A_347] : memref<24x128xi32, #tpu.memory_space<vmem>> -> memref<1x128xi32, #tpu.memory_space<vmem>>
        %dma_wait3A_349 = tpu.memref_squeeze %dma_wait3A_348 : memref<1x128xi32, #tpu.memory_space<vmem>> -> memref<128xi32, #tpu.memory_space<vmem>>
        %dma_wait3A_350 = arith.constant 0 : i32
        %dma_wait3A_351 = arith.constant 0 : i32
        %dma_wait3A_352 = tpu.memref_slice %arg14[%dma_wait3A_350, %dma_wait3A_351] : memref<10240x128xf32, #tpu.memory_space<vmem_shared>> -> memref<10240x128xf32, #tpu.memory_space<vmem_shared>>
        tpu.wait_indirect_dma semaphore(%run_scoped3A_340 : memref<!tpu.dma_semaphore, #tpu.memory_space<semaphore_mem>>) src(%arg13 : memref<128x128xf32, #tpu.memory_space<vmem>>) dst(%dma_wait3A_352 : memref<10240x128xf32, #tpu.memory_space<vmem_shared>>)
        tpu.yield
      }) : () -> ()
      %add3A_332 = arith.constant 3 : i32
      %add3A_333 = arith.addi %mul3A_307, %add3A_332 : i32
      %dma_start3A_334 = arith.constant 0 : i32
      %dma_start3A_335 = tpu.memref_slice %arg8[%add3A_333, %dma_start3A_334] : memref<24x128xi32, #tpu.memory_space<vmem>> -> memref<1x128xi32, #tpu.memory_space<vmem>>
      %dma_start3A_336 = tpu.memref_squeeze %dma_start3A_335 : memref<1x128xi32, #tpu.memory_space<vmem>> -> memref<128xi32, #tpu.memory_space<vmem>>
      %dma_start3A_337 = arith.constant 0 : i32
      %dma_start3A_338 = arith.constant 0 : i32
      %dma_start3A_339 = tpu.memref_slice %arg2[%dma_start3A_337, %dma_start3A_338] : memref<10000x128xf32, #tpu.memory_space<hbm>> -> memref<10000x128xf32, #tpu.memory_space<hbm>>
      tpu.enqueue_indirect_dma source(%dma_start3A_339 : memref<10000x128xf32, #tpu.memory_space<hbm>>) target(%arg13 : memref<128x128xf32, #tpu.memory_space<vmem>>) offsets(%dma_start3A_336 : memref<128xi32, #tpu.memory_space<vmem>>) semaphore(%arg16 : memref<!tpu.dma_semaphore, #tpu.memory_space<semaphore_mem>>)
    }
    %scan3A_222 = arith.constant 11 : i32
    %dma_wait3A_223 = arith.constant 22 : i32
    %dma_wait3A_224 = arith.constant 0 : i32
    %dma_wait3A_225 = tpu.memref_slice %arg8[%dma_wait3A_223, %dma_wait3A_224] : memref<24x128xi32, #tpu.memory_space<vmem>> -> memref<1x128xi32, #tpu.memory_space<vmem>>
    %dma_wait3A_226 = tpu.memref_squeeze %dma_wait3A_225 : memref<1x128xi32, #tpu.memory_space<vmem>> -> memref<128xi32, #tpu.memory_space<vmem>>
    %dma_wait3A_227 = arith.constant 0 : i32
    %dma_wait3A_228 = arith.constant 0 : i32
    %dma_wait3A_229 = tpu.memref_slice %arg2[%dma_wait3A_227, %dma_wait3A_228] : memref<10000x128xf32, #tpu.memory_space<hbm>> -> memref<10000x128xf32, #tpu.memory_space<hbm>>
    tpu.wait_indirect_dma semaphore(%arg15 : memref<!tpu.dma_semaphore, #tpu.memory_space<semaphore_mem>>) src(%dma_wait3A_229 : memref<10000x128xf32, #tpu.memory_space<hbm>>) dst(%arg12 : memref<128x128xf32, #tpu.memory_space<vmem>>)
    %run_scoped3A_230 = arith.constant 22 : i32
    "tpu.region"() ({
      %run_scoped3A_305 = tpu.sem_alloc : memref<!tpu.dma_semaphore, #tpu.memory_space<semaphore_mem>>
      %dma_start3A_306 = arith.constant 0 : i32
      %dma_start3A_307 = tpu.memref_slice %arg9[%run_scoped3A_230, %dma_start3A_306] : memref<24x128xi32, #tpu.memory_space<vmem>> -> memref<1x128xi32, #tpu.memory_space<vmem>>
      %dma_start3A_308 = tpu.memref_squeeze %dma_start3A_307 : memref<1x128xi32, #tpu.memory_space<vmem>> -> memref<128xi32, #tpu.memory_space<vmem>>
      %dma_start3A_309 = arith.constant 0 : i32
      %dma_start3A_310 = arith.constant 0 : i32
      %dma_start3A_311 = tpu.memref_slice %arg14[%dma_start3A_309, %dma_start3A_310] : memref<10240x128xf32, #tpu.memory_space<vmem_shared>> -> memref<10240x128xf32, #tpu.memory_space<vmem_shared>>
      tpu.enqueue_indirect_dma source(%arg12 : memref<128x128xf32, #tpu.memory_space<vmem>>) target(%dma_start3A_311 : memref<10240x128xf32, #tpu.memory_space<vmem_shared>>) offsets(%dma_start3A_308 : memref<128xi32, #tpu.memory_space<vmem>>) semaphore(%run_scoped3A_305 : memref<!tpu.dma_semaphore, #tpu.memory_space<semaphore_mem>>) {add = true}
      %dma_wait3A_312 = arith.constant 0 : i32
      %dma_wait3A_313 = tpu.memref_slice %arg9[%run_scoped3A_230, %dma_wait3A_312] : memref<24x128xi32, #tpu.memory_space<vmem>> -> memref<1x128xi32, #tpu.memory_space<vmem>>
      %dma_wait3A_314 = tpu.memref_squeeze %dma_wait3A_313 : memref<1x128xi32, #tpu.memory_space<vmem>> -> memref<128xi32, #tpu.memory_space<vmem>>
      %dma_wait3A_315 = arith.constant 0 : i32
      %dma_wait3A_316 = arith.constant 0 : i32
      %dma_wait3A_317 = tpu.memref_slice %arg14[%dma_wait3A_315, %dma_wait3A_316] : memref<10240x128xf32, #tpu.memory_space<vmem_shared>> -> memref<10240x128xf32, #tpu.memory_space<vmem_shared>>
      tpu.wait_indirect_dma semaphore(%run_scoped3A_305 : memref<!tpu.dma_semaphore, #tpu.memory_space<semaphore_mem>>) src(%arg12 : memref<128x128xf32, #tpu.memory_space<vmem>>) dst(%dma_wait3A_317 : memref<10240x128xf32, #tpu.memory_space<vmem_shared>>)
      tpu.yield
    }) : () -> ()
    %dma_wait3A_231 = arith.constant 0 : i32
    %dma_wait3A_232 = arith.constant 0 : i32
    %dma_wait3A_233 = tpu.memref_slice %arg10[%dma_wait3A_231, %dma_wait3A_232] : memref<24x128xi32, #tpu.memory_space<vmem>> -> memref<8x128xi32, #tpu.memory_space<vmem>>
    %dma_wait3A_234 = arith.constant 0 : i32
    %dma_wait3A_235 = tpu.memref_slice %arg3[%mul3A_22, %dma_wait3A_234] : memref<2560x128xi32, #tpu.memory_space<hbm>> -> memref<8x128xi32, #tpu.memory_space<hbm>>
    %dma_wait3A_236 = arith.constant 0 : i32
    %dma_wait3A_237 = arith.constant 0 : i32
    %dma_wait3A_238 = tpu.memref_slice %arg10[%dma_wait3A_236, %dma_wait3A_237] : memref<24x128xi32, #tpu.memory_space<vmem>> -> memref<8x128xi32, #tpu.memory_space<vmem>>
    %dma_wait3A_239 = arith.constant 0 : i32
    %dma_wait3A_240 = tpu.memref_slice %arg3[%mul3A_22, %dma_wait3A_239] : memref<2560x128xi32, #tpu.memory_space<hbm>> -> memref<8x128xi32, #tpu.memory_space<hbm>>
    tpu.wait_dma2 semaphore(%arg17 : memref<!tpu.dma_semaphore, #tpu.memory_space<semaphore_mem>>) src(%dma_wait3A_240 : memref<8x128xi32, #tpu.memory_space<hbm>>) dst(%dma_wait3A_238 : memref<8x128xi32, #tpu.memory_space<vmem>>)
    %dma_start3A_241 = arith.constant 0 : i32
    %dma_start3A_242 = arith.constant 0 : i32
    %dma_start3A_243 = tpu.memref_slice %arg10[%dma_start3A_241, %dma_start3A_242] : memref<24x128xi32, #tpu.memory_space<vmem>> -> memref<1x128xi32, #tpu.memory_space<vmem>>
    %dma_start3A_244 = tpu.memref_squeeze %dma_start3A_243 : memref<1x128xi32, #tpu.memory_space<vmem>> -> memref<128xi32, #tpu.memory_space<vmem>>
    %dma_start3A_245 = arith.constant 0 : i32
    %dma_start3A_246 = arith.constant 0 : i32
    %dma_start3A_247 = tpu.memref_slice %arg2[%dma_start3A_245, %dma_start3A_246] : memref<10000x128xf32, #tpu.memory_space<hbm>> -> memref<10000x128xf32, #tpu.memory_space<hbm>>
    tpu.enqueue_indirect_dma source(%dma_start3A_247 : memref<10000x128xf32, #tpu.memory_space<hbm>>) target(%arg12 : memref<128x128xf32, #tpu.memory_space<vmem>>) offsets(%dma_start3A_244 : memref<128xi32, #tpu.memory_space<vmem>>) semaphore(%arg15 : memref<!tpu.dma_semaphore, #tpu.memory_space<semaphore_mem>>)
    %dma_wait3A_248 = arith.constant 23 : i32
    %dma_wait3A_249 = arith.constant 0 : i32
    %dma_wait3A_250 = tpu.memref_slice %arg8[%dma_wait3A_248, %dma_wait3A_249] : memref<24x128xi32, #tpu.memory_space<vmem>> -> memref<1x128xi32, #tpu.memory_space<vmem>>
    %dma_wait3A_251 = tpu.memref_squeeze %dma_wait3A_250 : memref<1x128xi32, #tpu.memory_space<vmem>> -> memref<128xi32, #tpu.memory_space<vmem>>
    %dma_wait3A_252 = arith.constant 0 : i32
    %dma_wait3A_253 = arith.constant 0 : i32
    %dma_wait3A_254 = tpu.memref_slice %arg2[%dma_wait3A_252, %dma_wait3A_253] : memref<10000x128xf32, #tpu.memory_space<hbm>> -> memref<10000x128xf32, #tpu.memory_space<hbm>>
    tpu.wait_indirect_dma semaphore(%arg16 : memref<!tpu.dma_semaphore, #tpu.memory_space<semaphore_mem>>) src(%dma_wait3A_254 : memref<10000x128xf32, #tpu.memory_space<hbm>>) dst(%arg13 : memref<128x128xf32, #tpu.memory_space<vmem>>)
    %run_scoped3A_255 = arith.constant 23 : i32
    "tpu.region"() ({
      %run_scoped3A_305 = tpu.sem_alloc : memref<!tpu.dma_semaphore, #tpu.memory_space<semaphore_mem>>
      %dma_start3A_306 = arith.constant 0 : i32
      %dma_start3A_307 = tpu.memref_slice %arg9[%run_scoped3A_255, %dma_start3A_306] : memref<24x128xi32, #tpu.memory_space<vmem>> -> memref<1x128xi32, #tpu.memory_space<vmem>>
      %dma_start3A_308 = tpu.memref_squeeze %dma_start3A_307 : memref<1x128xi32, #tpu.memory_space<vmem>> -> memref<128xi32, #tpu.memory_space<vmem>>
      %dma_start3A_309 = arith.constant 0 : i32
      %dma_start3A_310 = arith.constant 0 : i32
      %dma_start3A_311 = tpu.memref_slice %arg14[%dma_start3A_309, %dma_start3A_310] : memref<10240x128xf32, #tpu.memory_space<vmem_shared>> -> memref<10240x128xf32, #tpu.memory_space<vmem_shared>>
      tpu.enqueue_indirect_dma source(%arg13 : memref<128x128xf32, #tpu.memory_space<vmem>>) target(%dma_start3A_311 : memref<10240x128xf32, #tpu.memory_space<vmem_shared>>) offsets(%dma_start3A_308 : memref<128xi32, #tpu.memory_space<vmem>>) semaphore(%run_scoped3A_305 : memref<!tpu.dma_semaphore, #tpu.memory_space<semaphore_mem>>) {add = true}
      %dma_wait3A_312 = arith.constant 0 : i32
      %dma_wait3A_313 = tpu.memref_slice %arg9[%run_scoped3A_255, %dma_wait3A_312] : memref<24x128xi32, #tpu.memory_space<vmem>> -> memref<1x128xi32, #tpu.memory_space<vmem>>
      %dma_wait3A_314 = tpu.memref_squeeze %dma_wait3A_313 : memref<1x128xi32, #tpu.memory_space<vmem>> -> memref<128xi32, #tpu.memory_space<vmem>>
      %dma_wait3A_315 = arith.constant 0 : i32
      %dma_wait3A_316 = arith.constant 0 : i32
      %dma_wait3A_317 = tpu.memref_slice %arg14[%dma_wait3A_315, %dma_wait3A_316] : memref<10240x128xf32, #tpu.memory_space<vmem_shared>> -> memref<10240x128xf32, #tpu.memory_space<vmem_shared>>
      tpu.wait_indirect_dma semaphore(%run_scoped3A_305 : memref<!tpu.dma_semaphore, #tpu.memory_space<semaphore_mem>>) src(%arg13 : memref<128x128xf32, #tpu.memory_space<vmem>>) dst(%dma_wait3A_317 : memref<10240x128xf32, #tpu.memory_space<vmem_shared>>)
      tpu.yield
    }) : () -> ()
    %dma_wait3A_256 = arith.constant 0 : i32
    %dma_wait3A_257 = arith.constant 0 : i32
    %dma_wait3A_258 = tpu.memref_slice %arg11[%dma_wait3A_256, %dma_wait3A_257] : memref<24x128xi32, #tpu.memory_space<vmem>> -> memref<8x128xi32, #tpu.memory_space<vmem>>
    %dma_wait3A_259 = arith.constant 0 : i32
    %dma_wait3A_260 = tpu.memref_slice %arg4[%mul3A_22, %dma_wait3A_259] : memref<2560x128xi32, #tpu.memory_space<hbm>> -> memref<8x128xi32, #tpu.memory_space<hbm>>
    %dma_wait3A_261 = arith.constant 0 : i32
    %dma_wait3A_262 = arith.constant 0 : i32
    %dma_wait3A_263 = tpu.memref_slice %arg11[%dma_wait3A_261, %dma_wait3A_262] : memref<24x128xi32, #tpu.memory_space<vmem>> -> memref<8x128xi32, #tpu.memory_space<vmem>>
    %dma_wait3A_264 = arith.constant 0 : i32
    %dma_wait3A_265 = tpu.memref_slice %arg4[%mul3A_22, %dma_wait3A_264] : memref<2560x128xi32, #tpu.memory_space<hbm>> -> memref<8x128xi32, #tpu.memory_space<hbm>>
    tpu.wait_dma2 semaphore(%arg18 : memref<!tpu.dma_semaphore, #tpu.memory_space<semaphore_mem>>) src(%dma_wait3A_265 : memref<8x128xi32, #tpu.memory_space<hbm>>) dst(%dma_wait3A_263 : memref<8x128xi32, #tpu.memory_space<vmem>>)
    %dma_start3A_266 = arith.constant 1 : i32
    %dma_start3A_267 = arith.constant 0 : i32
    %dma_start3A_268 = tpu.memref_slice %arg10[%dma_start3A_266, %dma_start3A_267] : memref<24x128xi32, #tpu.memory_space<vmem>> -> memref<1x128xi32, #tpu.memory_space<vmem>>
    %dma_start3A_269 = tpu.memref_squeeze %dma_start3A_268 : memref<1x128xi32, #tpu.memory_space<vmem>> -> memref<128xi32, #tpu.memory_space<vmem>>
    %dma_start3A_270 = arith.constant 0 : i32
    %dma_start3A_271 = arith.constant 0 : i32
    %dma_start3A_272 = tpu.memref_slice %arg2[%dma_start3A_270, %dma_start3A_271] : memref<10000x128xf32, #tpu.memory_space<hbm>> -> memref<10000x128xf32, #tpu.memory_space<hbm>>
    tpu.enqueue_indirect_dma source(%dma_start3A_272 : memref<10000x128xf32, #tpu.memory_space<hbm>>) target(%arg13 : memref<128x128xf32, #tpu.memory_space<vmem>>) offsets(%dma_start3A_269 : memref<128xi32, #tpu.memory_space<vmem>>) semaphore(%arg16 : memref<!tpu.dma_semaphore, #tpu.memory_space<semaphore_mem>>)
    %scan3A_273 = arith.constant 0 : i32
    %scan3A_274 = arith.constant 0 : i32
    %scan3A_275 = arith.constant 3 : i32
    %scan3A_276 = arith.addi %scan3A_274, %scan3A_275 : i32
    %scan3A_277 = arith.constant 1 : i32
    scf.for %scan3A_305 = %scan3A_274 to %scan3A_276 step %scan3A_277  : i32 {
      %mul3A_306 = arith.constant 2 : i32
      %mul3A_307 = arith.muli %mul3A_306, %scan3A_305 : i32
      %dma_wait3A_308 = arith.constant 0 : i32
      %dma_wait3A_309 = tpu.memref_slice %arg10[%mul3A_307, %dma_wait3A_308] : memref<24x128xi32, #tpu.memory_space<vmem>> -> memref<1x128xi32, #tpu.memory_space<vmem>>
      %dma_wait3A_310 = tpu.memref_squeeze %dma_wait3A_309 : memref<1x128xi32, #tpu.memory_space<vmem>> -> memref<128xi32, #tpu.memory_space<vmem>>
      %dma_wait3A_311 = arith.constant 0 : i32
      %dma_wait3A_312 = arith.constant 0 : i32
      %dma_wait3A_313 = tpu.memref_slice %arg2[%dma_wait3A_311, %dma_wait3A_312] : memref<10000x128xf32, #tpu.memory_space<hbm>> -> memref<10000x128xf32, #tpu.memory_space<hbm>>
      tpu.wait_indirect_dma semaphore(%arg15 : memref<!tpu.dma_semaphore, #tpu.memory_space<semaphore_mem>>) src(%dma_wait3A_313 : memref<10000x128xf32, #tpu.memory_space<hbm>>) dst(%arg12 : memref<128x128xf32, #tpu.memory_space<vmem>>)
      "tpu.region"() ({
        %run_scoped3A_340 = tpu.sem_alloc : memref<!tpu.dma_semaphore, #tpu.memory_space<semaphore_mem>>
        %dma_start3A_341 = arith.constant 0 : i32
        %dma_start3A_342 = tpu.memref_slice %arg11[%mul3A_307, %dma_start3A_341] : memref<24x128xi32, #tpu.memory_space<vmem>> -> memref<1x128xi32, #tpu.memory_space<vmem>>
        %dma_start3A_343 = tpu.memref_squeeze %dma_start3A_342 : memref<1x128xi32, #tpu.memory_space<vmem>> -> memref<128xi32, #tpu.memory_space<vmem>>
        %dma_start3A_344 = arith.constant 0 : i32
        %dma_start3A_345 = arith.constant 0 : i32
        %dma_start3A_346 = tpu.memref_slice %arg14[%dma_start3A_344, %dma_start3A_345] : memref<10240x128xf32, #tpu.memory_space<vmem_shared>> -> memref<10240x128xf32, #tpu.memory_space<vmem_shared>>
        tpu.enqueue_indirect_dma source(%arg12 : memref<128x128xf32, #tpu.memory_space<vmem>>) target(%dma_start3A_346 : memref<10240x128xf32, #tpu.memory_space<vmem_shared>>) offsets(%dma_start3A_343 : memref<128xi32, #tpu.memory_space<vmem>>) semaphore(%run_scoped3A_340 : memref<!tpu.dma_semaphore, #tpu.memory_space<semaphore_mem>>) {add = true}
        %dma_wait3A_347 = arith.constant 0 : i32
        %dma_wait3A_348 = tpu.memref_slice %arg11[%mul3A_307, %dma_wait3A_347] : memref<24x128xi32, #tpu.memory_space<vmem>> -> memref<1x128xi32, #tpu.memory_space<vmem>>
        %dma_wait3A_349 = tpu.memref_squeeze %dma_wait3A_348 : memref<1x128xi32, #tpu.memory_space<vmem>> -> memref<128xi32, #tpu.memory_space<vmem>>
        %dma_wait3A_350 = arith.constant 0 : i32
        %dma_wait3A_351 = arith.constant 0 : i32
        %dma_wait3A_352 = tpu.memref_slice %arg14[%dma_wait3A_350, %dma_wait3A_351] : memref<10240x128xf32, #tpu.memory_space<vmem_shared>> -> memref<10240x128xf32, #tpu.memory_space<vmem_shared>>
        tpu.wait_indirect_dma semaphore(%run_scoped3A_340 : memref<!tpu.dma_semaphore, #tpu.memory_space<semaphore_mem>>) src(%arg12 : memref<128x128xf32, #tpu.memory_space<vmem>>) dst(%dma_wait3A_352 : memref<10240x128xf32, #tpu.memory_space<vmem_shared>>)
        tpu.yield
      }) : () -> ()
      %add3A_314 = arith.constant 2 : i32
      %add3A_315 = arith.addi %mul3A_307, %add3A_314 : i32
      %dma_start3A_316 = arith.constant 0 : i32
      %dma_start3A_317 = tpu.memref_slice %arg10[%add3A_315, %dma_start3A_316] : memref<24x128xi32, #tpu.memory_space<vmem>> -> memref<1x128xi32, #tpu.memory_space<vmem>>
      %dma_start3A_318 = tpu.memref_squeeze %dma_start3A_317 : memref<1x128xi32, #tpu.memory_space<vmem>> -> memref<128xi32, #tpu.memory_space<vmem>>
      %dma_start3A_319 = arith.constant 0 : i32
      %dma_start3A_320 = arith.constant 0 : i32
      %dma_start3A_321 = tpu.memref_slice %arg2[%dma_start3A_319, %dma_start3A_320] : memref<10000x128xf32, #tpu.memory_space<hbm>> -> memref<10000x128xf32, #tpu.memory_space<hbm>>
      tpu.enqueue_indirect_dma source(%dma_start3A_321 : memref<10000x128xf32, #tpu.memory_space<hbm>>) target(%arg12 : memref<128x128xf32, #tpu.memory_space<vmem>>) offsets(%dma_start3A_318 : memref<128xi32, #tpu.memory_space<vmem>>) semaphore(%arg15 : memref<!tpu.dma_semaphore, #tpu.memory_space<semaphore_mem>>)
      %add3A_322 = arith.constant 1 : i32
      %add3A_323 = arith.addi %mul3A_307, %add3A_322 : i32
      %dma_wait3A_324 = arith.constant 0 : i32
      %dma_wait3A_325 = tpu.memref_slice %arg10[%add3A_323, %dma_wait3A_324] : memref<24x128xi32, #tpu.memory_space<vmem>> -> memref<1x128xi32, #tpu.memory_space<vmem>>
      %dma_wait3A_326 = tpu.memref_squeeze %dma_wait3A_325 : memref<1x128xi32, #tpu.memory_space<vmem>> -> memref<128xi32, #tpu.memory_space<vmem>>
      %dma_wait3A_327 = arith.constant 0 : i32
      %dma_wait3A_328 = arith.constant 0 : i32
      %dma_wait3A_329 = tpu.memref_slice %arg2[%dma_wait3A_327, %dma_wait3A_328] : memref<10000x128xf32, #tpu.memory_space<hbm>> -> memref<10000x128xf32, #tpu.memory_space<hbm>>
      tpu.wait_indirect_dma semaphore(%arg16 : memref<!tpu.dma_semaphore, #tpu.memory_space<semaphore_mem>>) src(%dma_wait3A_329 : memref<10000x128xf32, #tpu.memory_space<hbm>>) dst(%arg13 : memref<128x128xf32, #tpu.memory_space<vmem>>)
      %add3A_330 = arith.constant 1 : i32
      %add3A_331 = arith.addi %mul3A_307, %add3A_330 : i32
      "tpu.region"() ({
        %run_scoped3A_340 = tpu.sem_alloc : memref<!tpu.dma_semaphore, #tpu.memory_space<semaphore_mem>>
        %dma_start3A_341 = arith.constant 0 : i32
        %dma_start3A_342 = tpu.memref_slice %arg11[%add3A_331, %dma_start3A_341] : memref<24x128xi32, #tpu.memory_space<vmem>> -> memref<1x128xi32, #tpu.memory_space<vmem>>
        %dma_start3A_343 = tpu.memref_squeeze %dma_start3A_342 : memref<1x128xi32, #tpu.memory_space<vmem>> -> memref<128xi32, #tpu.memory_space<vmem>>
        %dma_start3A_344 = arith.constant 0 : i32
        %dma_start3A_345 = arith.constant 0 : i32
        %dma_start3A_346 = tpu.memref_slice %arg14[%dma_start3A_344, %dma_start3A_345] : memref<10240x128xf32, #tpu.memory_space<vmem_shared>> -> memref<10240x128xf32, #tpu.memory_space<vmem_shared>>
        tpu.enqueue_indirect_dma source(%arg13 : memref<128x128xf32, #tpu.memory_space<vmem>>) target(%dma_start3A_346 : memref<10240x128xf32, #tpu.memory_space<vmem_shared>>) offsets(%dma_start3A_343 : memref<128xi32, #tpu.memory_space<vmem>>) semaphore(%run_scoped3A_340 : memref<!tpu.dma_semaphore, #tpu.memory_space<semaphore_mem>>) {add = true}
        %dma_wait3A_347 = arith.constant 0 : i32
        %dma_wait3A_348 = tpu.memref_slice %arg11[%add3A_331, %dma_wait3A_347] : memref<24x128xi32, #tpu.memory_space<vmem>> -> memref<1x128xi32, #tpu.memory_space<vmem>>
        %dma_wait3A_349 = tpu.memref_squeeze %dma_wait3A_348 : memref<1x128xi32, #tpu.memory_space<vmem>> -> memref<128xi32, #tpu.memory_space<vmem>>
        %dma_wait3A_350 = arith.constant 0 : i32
        %dma_wait3A_351 = arith.constant 0 : i32
        %dma_wait3A_352 = tpu.memref_slice %arg14[%dma_wait3A_350, %dma_wait3A_351] : memref<10240x128xf32, #tpu.memory_space<vmem_shared>> -> memref<10240x128xf32, #tpu.memory_space<vmem_shared>>
        tpu.wait_indirect_dma semaphore(%run_scoped3A_340 : memref<!tpu.dma_semaphore, #tpu.memory_space<semaphore_mem>>) src(%arg13 : memref<128x128xf32, #tpu.memory_space<vmem>>) dst(%dma_wait3A_352 : memref<10240x128xf32, #tpu.memory_space<vmem_shared>>)
        tpu.yield
      }) : () -> ()
      %add3A_332 = arith.constant 3 : i32
      %add3A_333 = arith.addi %mul3A_307, %add3A_332 : i32
      %dma_start3A_334 = arith.constant 0 : i32
      %dma_start3A_335 = tpu.memref_slice %arg10[%add3A_333, %dma_start3A_334] : memref<24x128xi32, #tpu.memory_space<vmem>> -> memref<1x128xi32, #tpu.memory_space<vmem>>
      %dma_start3A_336 = tpu.memref_squeeze %dma_start3A_335 : memref<1x128xi32, #tpu.memory_space<vmem>> -> memref<128xi32, #tpu.memory_space<vmem>>
      %dma_start3A_337 = arith.constant 0 : i32
      %dma_start3A_338 = arith.constant 0 : i32
      %dma_start3A_339 = tpu.memref_slice %arg2[%dma_start3A_337, %dma_start3A_338] : memref<10000x128xf32, #tpu.memory_space<hbm>> -> memref<10000x128xf32, #tpu.memory_space<hbm>>
      tpu.enqueue_indirect_dma source(%dma_start3A_339 : memref<10000x128xf32, #tpu.memory_space<hbm>>) target(%arg13 : memref<128x128xf32, #tpu.memory_space<vmem>>) offsets(%dma_start3A_336 : memref<128xi32, #tpu.memory_space<vmem>>) semaphore(%arg16 : memref<!tpu.dma_semaphore, #tpu.memory_space<semaphore_mem>>)
    }
    %scan3A_278 = arith.constant 3 : i32
    %dma_wait3A_279 = arith.constant 6 : i32
    %dma_wait3A_280 = arith.constant 0 : i32
    %dma_wait3A_281 = tpu.memref_slice %arg10[%dma_wait3A_279, %dma_wait3A_280] : memref<24x128xi32, #tpu.memory_space<vmem>> -> memref<1x128xi32, #tpu.memory_space<vmem>>
    %dma_wait3A_282 = tpu.memref_squeeze %dma_wait3A_281 : memref<1x128xi32, #tpu.memory_space<vmem>> -> memref<128xi32, #tpu.memory_space<vmem>>
    %dma_wait3A_283 = arith.constant 0 : i32
    %dma_wait3A_284 = arith.constant 0 : i32
    %dma_wait3A_285 = tpu.memref_slice %arg2[%dma_wait3A_283, %dma_wait3A_284] : memref<10000x128xf32, #tpu.memory_space<hbm>> -> memref<10000x128xf32, #tpu.memory_space<hbm>>
    tpu.wait_indirect_dma semaphore(%arg15 : memref<!tpu.dma_semaphore, #tpu.memory_space<semaphore_mem>>) src(%dma_wait3A_285 : memref<10000x128xf32, #tpu.memory_space<hbm>>) dst(%arg12 : memref<128x128xf32, #tpu.memory_space<vmem>>)
    %run_scoped3A_286 = arith.constant 6 : i32
    "tpu.region"() ({
      %run_scoped3A_305 = tpu.sem_alloc : memref<!tpu.dma_semaphore, #tpu.memory_space<semaphore_mem>>
      %dma_start3A_306 = arith.constant 0 : i32
      %dma_start3A_307 = tpu.memref_slice %arg11[%run_scoped3A_286, %dma_start3A_306] : memref<24x128xi32, #tpu.memory_space<vmem>> -> memref<1x128xi32, #tpu.memory_space<vmem>>
      %dma_start3A_308 = tpu.memref_squeeze %dma_start3A_307 : memref<1x128xi32, #tpu.memory_space<vmem>> -> memref<128xi32, #tpu.memory_space<vmem>>
      %dma_start3A_309 = arith.constant 0 : i32
      %dma_start3A_310 = arith.constant 0 : i32
      %dma_start3A_311 = tpu.memref_slice %arg14[%dma_start3A_309, %dma_start3A_310] : memref<10240x128xf32, #tpu.memory_space<vmem_shared>> -> memref<10240x128xf32, #tpu.memory_space<vmem_shared>>
      tpu.enqueue_indirect_dma source(%arg12 : memref<128x128xf32, #tpu.memory_space<vmem>>) target(%dma_start3A_311 : memref<10240x128xf32, #tpu.memory_space<vmem_shared>>) offsets(%dma_start3A_308 : memref<128xi32, #tpu.memory_space<vmem>>) semaphore(%run_scoped3A_305 : memref<!tpu.dma_semaphore, #tpu.memory_space<semaphore_mem>>) {add = true}
      %dma_wait3A_312 = arith.constant 0 : i32
      %dma_wait3A_313 = tpu.memref_slice %arg11[%run_scoped3A_286, %dma_wait3A_312] : memref<24x128xi32, #tpu.memory_space<vmem>> -> memref<1x128xi32, #tpu.memory_space<vmem>>
      %dma_wait3A_314 = tpu.memref_squeeze %dma_wait3A_313 : memref<1x128xi32, #tpu.memory_space<vmem>> -> memref<128xi32, #tpu.memory_space<vmem>>
      %dma_wait3A_315 = arith.constant 0 : i32
      %dma_wait3A_316 = arith.constant 0 : i32
      %dma_wait3A_317 = tpu.memref_slice %arg14[%dma_wait3A_315, %dma_wait3A_316] : memref<10240x128xf32, #tpu.memory_space<vmem_shared>> -> memref<10240x128xf32, #tpu.memory_space<vmem_shared>>
      tpu.wait_indirect_dma semaphore(%run_scoped3A_305 : memref<!tpu.dma_semaphore, #tpu.memory_space<semaphore_mem>>) src(%arg12 : memref<128x128xf32, #tpu.memory_space<vmem>>) dst(%dma_wait3A_317 : memref<10240x128xf32, #tpu.memory_space<vmem_shared>>)
      tpu.yield
    }) : () -> ()
    %dma_wait3A_287 = arith.constant 7 : i32
    %dma_wait3A_288 = arith.constant 0 : i32
    %dma_wait3A_289 = tpu.memref_slice %arg10[%dma_wait3A_287, %dma_wait3A_288] : memref<24x128xi32, #tpu.memory_space<vmem>> -> memref<1x128xi32, #tpu.memory_space<vmem>>
    %dma_wait3A_290 = tpu.memref_squeeze %dma_wait3A_289 : memref<1x128xi32, #tpu.memory_space<vmem>> -> memref<128xi32, #tpu.memory_space<vmem>>
    %dma_wait3A_291 = arith.constant 0 : i32
    %dma_wait3A_292 = arith.constant 0 : i32
    %dma_wait3A_293 = tpu.memref_slice %arg2[%dma_wait3A_291, %dma_wait3A_292] : memref<10000x128xf32, #tpu.memory_space<hbm>> -> memref<10000x128xf32, #tpu.memory_space<hbm>>
    tpu.wait_indirect_dma semaphore(%arg16 : memref<!tpu.dma_semaphore, #tpu.memory_space<semaphore_mem>>) src(%dma_wait3A_293 : memref<10000x128xf32, #tpu.memory_space<hbm>>) dst(%arg13 : memref<128x128xf32, #tpu.memory_space<vmem>>)
    %run_scoped3A_294 = arith.constant 7 : i32
    "tpu.region"() ({
      %run_scoped3A_305 = tpu.sem_alloc : memref<!tpu.dma_semaphore, #tpu.memory_space<semaphore_mem>>
      %dma_start3A_306 = arith.constant 0 : i32
      %dma_start3A_307 = tpu.memref_slice %arg11[%run_scoped3A_294, %dma_start3A_306] : memref<24x128xi32, #tpu.memory_space<vmem>> -> memref<1x128xi32, #tpu.memory_space<vmem>>
      %dma_start3A_308 = tpu.memref_squeeze %dma_start3A_307 : memref<1x128xi32, #tpu.memory_space<vmem>> -> memref<128xi32, #tpu.memory_space<vmem>>
      %dma_start3A_309 = arith.constant 0 : i32
      %dma_start3A_310 = arith.constant 0 : i32
      %dma_start3A_311 = tpu.memref_slice %arg14[%dma_start3A_309, %dma_start3A_310] : memref<10240x128xf32, #tpu.memory_space<vmem_shared>> -> memref<10240x128xf32, #tpu.memory_space<vmem_shared>>
      tpu.enqueue_indirect_dma source(%arg13 : memref<128x128xf32, #tpu.memory_space<vmem>>) target(%dma_start3A_311 : memref<10240x128xf32, #tpu.memory_space<vmem_shared>>) offsets(%dma_start3A_308 : memref<128xi32, #tpu.memory_space<vmem>>) semaphore(%run_scoped3A_305 : memref<!tpu.dma_semaphore, #tpu.memory_space<semaphore_mem>>) {add = true}
      %dma_wait3A_312 = arith.constant 0 : i32
      %dma_wait3A_313 = tpu.memref_slice %arg11[%run_scoped3A_294, %dma_wait3A_312] : memref<24x128xi32, #tpu.memory_space<vmem>> -> memref<1x128xi32, #tpu.memory_space<vmem>>
      %dma_wait3A_314 = tpu.memref_squeeze %dma_wait3A_313 : memref<1x128xi32, #tpu.memory_space<vmem>> -> memref<128xi32, #tpu.memory_space<vmem>>
      %dma_wait3A_315 = arith.constant 0 : i32
      %dma_wait3A_316 = arith.constant 0 : i32
      %dma_wait3A_317 = tpu.memref_slice %arg14[%dma_wait3A_315, %dma_wait3A_316] : memref<10240x128xf32, #tpu.memory_space<vmem_shared>> -> memref<10240x128xf32, #tpu.memory_space<vmem_shared>>
      tpu.wait_indirect_dma semaphore(%run_scoped3A_305 : memref<!tpu.dma_semaphore, #tpu.memory_space<semaphore_mem>>) src(%arg13 : memref<128x128xf32, #tpu.memory_space<vmem>>) dst(%dma_wait3A_317 : memref<10240x128xf32, #tpu.memory_space<vmem_shared>>)
      tpu.yield
    }) : () -> ()
    %barrier3A_295 = arith.constant 0 : index
    tpu.barrier barrier_id(%barrier3A_295)
    %mul3A_296 = arith.constant 640 : i32
    %mul3A_297 = arith.muli %arg1, %mul3A_296 : i32
    %eq3A = arith.constant 0 : i32
    %eq3A_298 = arith.cmpi eq, %arg0, %eq3A : i32
    %convert_element_type3A = arith.extui %eq3A_298 : i1 to i32
    %cond3A = arith.constant 0 : i32
    %cond3A_299 = arith.cmpi ne, %convert_element_type3A, %cond3A : i32
    scf.if %cond3A_299 {
      "tpu.region"() ({
        %run_scoped3A_305 = tpu.sem_alloc : memref<!tpu.dma_semaphore, #tpu.memory_space<semaphore_mem>>
        %dma_start3A_306 = arith.constant 0 : i32
        %dma_start3A_307 = tpu.memref_slice %arg6[%mul3A_297, %dma_start3A_306] : memref<10240x128xf32, #tpu.memory_space<hbm>> -> memref<640x128xf32, #tpu.memory_space<hbm>>
        %dma_start3A_308 = arith.constant 0 : i32
        %dma_start3A_309 = tpu.memref_slice %arg14[%mul3A_297, %dma_start3A_308] : memref<10240x128xf32, #tpu.memory_space<vmem_shared>> -> memref<640x128xf32, #tpu.memory_space<vmem_shared>>
        tpu.enqueue_dma source(%dma_start3A_309 : memref<640x128xf32, #tpu.memory_space<vmem_shared>>) target(%dma_start3A_307 : memref<640x128xf32, #tpu.memory_space<hbm>>) target_semaphore(%run_scoped3A_305 : memref<!tpu.dma_semaphore, #tpu.memory_space<semaphore_mem>>)
        %dma_wait3A_310 = arith.constant 0 : i32
        %dma_wait3A_311 = tpu.memref_slice %arg6[%mul3A_297, %dma_wait3A_310] : memref<10240x128xf32, #tpu.memory_space<hbm>> -> memref<640x128xf32, #tpu.memory_space<hbm>>
        %dma_wait3A_312 = arith.constant 0 : i32
        %dma_wait3A_313 = tpu.memref_slice %arg14[%mul3A_297, %dma_wait3A_312] : memref<10240x128xf32, #tpu.memory_space<vmem_shared>> -> memref<640x128xf32, #tpu.memory_space<vmem_shared>>
        tpu.wait_dma2 semaphore(%run_scoped3A_305 : memref<!tpu.dma_semaphore, #tpu.memory_space<semaphore_mem>>) src(%dma_wait3A_313 : memref<640x128xf32, #tpu.memory_space<vmem_shared>>) dst(%dma_wait3A_311 : memref<640x128xf32, #tpu.memory_space<hbm>>)
        tpu.yield
      }) : () -> ()
    } else {
    }
    %eq3A_300 = arith.constant 1 : i32
    %eq3A_301 = arith.cmpi eq, %arg0, %eq3A_300 : i32
    %convert_element_type3A_302 = arith.extui %eq3A_301 : i1 to i32
    %cond3A_303 = arith.constant 0 : i32
    %cond3A_304 = arith.cmpi ne, %convert_element_type3A_302, %cond3A_303 : i32
    scf.if %cond3A_304 {
      "tpu.region"() ({
        %run_scoped3A_305 = tpu.sem_alloc : memref<!tpu.dma_semaphore, #tpu.memory_space<semaphore_mem>>
        %dma_start3A_306 = arith.constant 0 : i32
        %dma_start3A_307 = tpu.memref_slice %arg7[%mul3A_297, %dma_start3A_306] : memref<10240x128xf32, #tpu.memory_space<hbm>> -> memref<640x128xf32, #tpu.memory_space<hbm>>
        %dma_start3A_308 = arith.constant 0 : i32
        %dma_start3A_309 = tpu.memref_slice %arg14[%mul3A_297, %dma_start3A_308] : memref<10240x128xf32, #tpu.memory_space<vmem_shared>> -> memref<640x128xf32, #tpu.memory_space<vmem_shared>>
        tpu.enqueue_dma source(%dma_start3A_309 : memref<640x128xf32, #tpu.memory_space<vmem_shared>>) target(%dma_start3A_307 : memref<640x128xf32, #tpu.memory_space<hbm>>) target_semaphore(%run_scoped3A_305 : memref<!tpu.dma_semaphore, #tpu.memory_space<semaphore_mem>>)
        %dma_wait3A_310 = arith.constant 0 : i32
        %dma_wait3A_311 = tpu.memref_slice %arg7[%mul3A_297, %dma_wait3A_310] : memref<10240x128xf32, #tpu.memory_space<hbm>> -> memref<640x128xf32, #tpu.memory_space<hbm>>
        %dma_wait3A_312 = arith.constant 0 : i32
        %dma_wait3A_313 = tpu.memref_slice %arg14[%mul3A_297, %dma_wait3A_312] : memref<10240x128xf32, #tpu.memory_space<vmem_shared>> -> memref<640x128xf32, #tpu.memory_space<vmem_shared>>
        tpu.wait_dma2 semaphore(%run_scoped3A_305 : memref<!tpu.dma_semaphore, #tpu.memory_space<semaphore_mem>>) src(%dma_wait3A_313 : memref<640x128xf32, #tpu.memory_space<vmem_shared>>) dst(%dma_wait3A_311 : memref<640x128xf32, #tpu.memory_space<hbm>>)
        tpu.yield
      }) : () -> ()
    } else {
    }
    return
  }
}

#map = affine_map<(d0, d1) -> (0, 0)>
#map1 = affine_map<(d0, d1) -> (0)>
module attributes {stable_mosaic.version = 14 : i64} {
  func.func @_deg_body(%arg0: i32, %arg1: i32, %arg2: memref<2560x128xi32, #tpu.memory_space<hbm>>, %arg3: memref<128xf32, #tpu.memory_space<hbm>>, %arg4: memref<10240xf32, #tpu.memory_space<hbm>>, %arg5: memref<10240xf32, #tpu.memory_space<hbm>>, %arg6: memref<10240xf32, #tpu.memory_space<hbm>>, %arg7: memref<128xf32, #tpu.memory_space<vmem>>, %arg8: memref<80x128xi32, #tpu.memory_space<vmem>>, %arg9: memref<10240xf32, #tpu.memory_space<vmem_shared>>, %arg10: memref<640xf32, #tpu.memory_space<vmem>>, %arg11: memref<!tpu.dma_semaphore, #tpu.memory_space<semaphore_mem>>) attributes {dimension_semantics = [#tpu.dimension_semantics<core_parallel>, #tpu.dimension_semantics<subcore_parallel>], iteration_bounds = array<i64: 2, 16>, scalar_prefetch = 0 : i64, scratch_operands = 5 : i64, tpu.core_type = #tpu.core_type<sc_vector_subcore>, window_params = [{transform_indices = #map}, {transform_indices = #map1}, {transform_indices = #map1}, {transform_indices = #map1}, {transform_indices = #map1}]} {
    %mul3A = arith.constant 2 : i32
    %mul3A_0 = arith.muli %arg1, %mul3A : i32
    %add3A = arith.addi %mul3A_0, %arg0 : i32
    %mul3A_1 = arith.constant 640 : i32
    %mul3A_2 = arith.muli %arg1, %mul3A_1 : i32
    "tpu.region"() ({
      %run_scoped3A = tpu.sem_alloc : memref<!tpu.dma_semaphore, #tpu.memory_space<semaphore_mem>>
      %dma_start3A = tpu.memref_slice %arg4[%mul3A_2] : memref<10240xf32, #tpu.memory_space<hbm>> -> memref<640xf32, #tpu.memory_space<hbm>>
      %dma_start3A_24 = tpu.memref_slice %arg4[%mul3A_2] : memref<10240xf32, #tpu.memory_space<hbm>> -> memref<640xf32, #tpu.memory_space<hbm>>
      tpu.enqueue_dma source(%dma_start3A_24 : memref<640xf32, #tpu.memory_space<hbm>>) target(%arg10 : memref<640xf32, #tpu.memory_space<vmem>>) target_semaphore(%run_scoped3A : memref<!tpu.dma_semaphore, #tpu.memory_space<semaphore_mem>>)
      %dma_wait3A = tpu.memref_slice %arg4[%mul3A_2] : memref<10240xf32, #tpu.memory_space<hbm>> -> memref<640xf32, #tpu.memory_space<hbm>>
      %dma_wait3A_25 = tpu.memref_slice %arg4[%mul3A_2] : memref<10240xf32, #tpu.memory_space<hbm>> -> memref<640xf32, #tpu.memory_space<hbm>>
      tpu.wait_dma2 semaphore(%run_scoped3A : memref<!tpu.dma_semaphore, #tpu.memory_space<semaphore_mem>>) src(%dma_wait3A_25 : memref<640xf32, #tpu.memory_space<hbm>>) dst(%arg10 : memref<640xf32, #tpu.memory_space<vmem>>)
      tpu.yield
    }) : () -> ()
    "tpu.region"() ({
      %run_scoped3A = tpu.sem_alloc : memref<!tpu.dma_semaphore, #tpu.memory_space<semaphore_mem>>
      %dma_start3A = tpu.memref_slice %arg9[%mul3A_2] : memref<10240xf32, #tpu.memory_space<vmem_shared>> -> memref<640xf32, #tpu.memory_space<vmem_shared>>
      %dma_start3A_24 = tpu.memref_slice %arg9[%mul3A_2] : memref<10240xf32, #tpu.memory_space<vmem_shared>> -> memref<640xf32, #tpu.memory_space<vmem_shared>>
      tpu.enqueue_dma source(%arg10 : memref<640xf32, #tpu.memory_space<vmem>>) target(%dma_start3A_24 : memref<640xf32, #tpu.memory_space<vmem_shared>>) target_semaphore(%run_scoped3A : memref<!tpu.dma_semaphore, #tpu.memory_space<semaphore_mem>>)
      %dma_wait3A = tpu.memref_slice %arg9[%mul3A_2] : memref<10240xf32, #tpu.memory_space<vmem_shared>> -> memref<640xf32, #tpu.memory_space<vmem_shared>>
      %dma_wait3A_25 = tpu.memref_slice %arg9[%mul3A_2] : memref<10240xf32, #tpu.memory_space<vmem_shared>> -> memref<640xf32, #tpu.memory_space<vmem_shared>>
      tpu.wait_dma2 semaphore(%run_scoped3A : memref<!tpu.dma_semaphore, #tpu.memory_space<semaphore_mem>>) src(%arg10 : memref<640xf32, #tpu.memory_space<vmem>>) dst(%dma_wait3A_25 : memref<640xf32, #tpu.memory_space<vmem_shared>>)
      tpu.yield
    }) : () -> ()
    "tpu.region"() ({
      %run_scoped3A = tpu.sem_alloc : memref<!tpu.dma_semaphore, #tpu.memory_space<semaphore_mem>>
      tpu.enqueue_dma source(%arg3 : memref<128xf32, #tpu.memory_space<hbm>>) target(%arg7 : memref<128xf32, #tpu.memory_space<vmem>>) target_semaphore(%run_scoped3A : memref<!tpu.dma_semaphore, #tpu.memory_space<semaphore_mem>>)
      tpu.wait_dma2 semaphore(%run_scoped3A : memref<!tpu.dma_semaphore, #tpu.memory_space<semaphore_mem>>) src(%arg3 : memref<128xf32, #tpu.memory_space<hbm>>) dst(%arg7 : memref<128xf32, #tpu.memory_space<vmem>>)
      tpu.yield
    }) : () -> ()
    %mul3A_3 = arith.constant 80 : i32
    %mul3A_4 = arith.muli %add3A, %mul3A_3 : i32
    "tpu.region"() ({
      %run_scoped3A = tpu.sem_alloc : memref<!tpu.dma_semaphore, #tpu.memory_space<semaphore_mem>>
      %dma_start3A = arith.constant 0 : i32
      %dma_start3A_24 = tpu.memref_slice %arg2[%mul3A_4, %dma_start3A] : memref<2560x128xi32, #tpu.memory_space<hbm>> -> memref<80x128xi32, #tpu.memory_space<hbm>>
      %dma_start3A_25 = arith.constant 0 : i32
      %dma_start3A_26 = tpu.memref_slice %arg2[%mul3A_4, %dma_start3A_25] : memref<2560x128xi32, #tpu.memory_space<hbm>> -> memref<80x128xi32, #tpu.memory_space<hbm>>
      tpu.enqueue_dma source(%dma_start3A_26 : memref<80x128xi32, #tpu.memory_space<hbm>>) target(%arg8 : memref<80x128xi32, #tpu.memory_space<vmem>>) target_semaphore(%run_scoped3A : memref<!tpu.dma_semaphore, #tpu.memory_space<semaphore_mem>>)
      %dma_wait3A = arith.constant 0 : i32
      %dma_wait3A_27 = tpu.memref_slice %arg2[%mul3A_4, %dma_wait3A] : memref<2560x128xi32, #tpu.memory_space<hbm>> -> memref<80x128xi32, #tpu.memory_space<hbm>>
      %dma_wait3A_28 = arith.constant 0 : i32
      %dma_wait3A_29 = tpu.memref_slice %arg2[%mul3A_4, %dma_wait3A_28] : memref<2560x128xi32, #tpu.memory_space<hbm>> -> memref<80x128xi32, #tpu.memory_space<hbm>>
      tpu.wait_dma2 semaphore(%run_scoped3A : memref<!tpu.dma_semaphore, #tpu.memory_space<semaphore_mem>>) src(%dma_wait3A_29 : memref<80x128xi32, #tpu.memory_space<hbm>>) dst(%arg8 : memref<80x128xi32, #tpu.memory_space<vmem>>)
      tpu.yield
    }) : () -> ()
    %barrier3A = arith.constant 0 : index
    tpu.barrier barrier_id(%barrier3A)
    %scan3A = arith.constant 0 : i32
    %scan3A_5 = arith.constant 0 : i32
    %scan3A_6 = arith.constant 80 : i32
    %scan3A_7 = arith.addi %scan3A_5, %scan3A_6 : i32
    %scan3A_8 = arith.constant 1 : i32
    scf.for %scan3A_24 = %scan3A_5 to %scan3A_7 step %scan3A_8  : i32 {
      %dma_start3A = arith.constant 0 : i32
      %dma_start3A_25 = tpu.memref_slice %arg8[%scan3A_24, %dma_start3A] : memref<80x128xi32, #tpu.memory_space<vmem>> -> memref<1x128xi32, #tpu.memory_space<vmem>>
      %dma_start3A_26 = tpu.memref_squeeze %dma_start3A_25 : memref<1x128xi32, #tpu.memory_space<vmem>> -> memref<128xi32, #tpu.memory_space<vmem>>
      %dma_start3A_27 = arith.constant 0 : i32
      %dma_start3A_28 = tpu.memref_slice %arg9[%dma_start3A_27] : memref<10240xf32, #tpu.memory_space<vmem_shared>> -> memref<10240xf32, #tpu.memory_space<vmem_shared>>
      tpu.enqueue_indirect_dma source(%arg7 : memref<128xf32, #tpu.memory_space<vmem>>) target(%dma_start3A_28 : memref<10240xf32, #tpu.memory_space<vmem_shared>>) offsets(%dma_start3A_26 : memref<128xi32, #tpu.memory_space<vmem>>) semaphore(%arg11 : memref<!tpu.dma_semaphore, #tpu.memory_space<semaphore_mem>>) {add = true}
    }
    %scan3A_9 = arith.constant 80 : i32
    %scan3A_10 = arith.constant 0 : i32
    %scan3A_11 = arith.constant 0 : i32
    %scan3A_12 = arith.constant 80 : i32
    %scan3A_13 = arith.addi %scan3A_11, %scan3A_12 : i32
    %scan3A_14 = arith.constant 1 : i32
    scf.for %scan3A_24 = %scan3A_11 to %scan3A_13 step %scan3A_14  : i32 {
      %dma_wait3A = arith.constant 0 : i32
      %dma_wait3A_25 = tpu.memref_slice %arg8[%scan3A_24, %dma_wait3A] : memref<80x128xi32, #tpu.memory_space<vmem>> -> memref<1x128xi32, #tpu.memory_space<vmem>>
      %dma_wait3A_26 = tpu.memref_squeeze %dma_wait3A_25 : memref<1x128xi32, #tpu.memory_space<vmem>> -> memref<128xi32, #tpu.memory_space<vmem>>
      %dma_wait3A_27 = arith.constant 0 : i32
      %dma_wait3A_28 = tpu.memref_slice %arg9[%dma_wait3A_27] : memref<10240xf32, #tpu.memory_space<vmem_shared>> -> memref<10240xf32, #tpu.memory_space<vmem_shared>>
      tpu.wait_indirect_dma semaphore(%arg11 : memref<!tpu.dma_semaphore, #tpu.memory_space<semaphore_mem>>) src(%arg7 : memref<128xf32, #tpu.memory_space<vmem>>) dst(%dma_wait3A_28 : memref<10240xf32, #tpu.memory_space<vmem_shared>>)
    }
    %scan3A_15 = arith.constant 80 : i32
    %barrier3A_16 = arith.constant 0 : index
    tpu.barrier barrier_id(%barrier3A_16)
    "tpu.region"() ({
      %run_scoped3A = tpu.sem_alloc : memref<!tpu.dma_semaphore, #tpu.memory_space<semaphore_mem>>
      %dma_start3A = tpu.memref_slice %arg9[%mul3A_2] : memref<10240xf32, #tpu.memory_space<vmem_shared>> -> memref<640xf32, #tpu.memory_space<vmem_shared>>
      %dma_start3A_24 = tpu.memref_slice %arg9[%mul3A_2] : memref<10240xf32, #tpu.memory_space<vmem_shared>> -> memref<640xf32, #tpu.memory_space<vmem_shared>>
      tpu.enqueue_dma source(%dma_start3A_24 : memref<640xf32, #tpu.memory_space<vmem_shared>>) target(%arg10 : memref<640xf32, #tpu.memory_space<vmem>>) target_semaphore(%run_scoped3A : memref<!tpu.dma_semaphore, #tpu.memory_space<semaphore_mem>>)
      %dma_wait3A = tpu.memref_slice %arg9[%mul3A_2] : memref<10240xf32, #tpu.memory_space<vmem_shared>> -> memref<640xf32, #tpu.memory_space<vmem_shared>>
      %dma_wait3A_25 = tpu.memref_slice %arg9[%mul3A_2] : memref<10240xf32, #tpu.memory_space<vmem_shared>> -> memref<640xf32, #tpu.memory_space<vmem_shared>>
      tpu.wait_dma2 semaphore(%run_scoped3A : memref<!tpu.dma_semaphore, #tpu.memory_space<semaphore_mem>>) src(%dma_wait3A_25 : memref<640xf32, #tpu.memory_space<vmem_shared>>) dst(%arg10 : memref<640xf32, #tpu.memory_space<vmem>>)
      tpu.yield
    }) : () -> ()
    %eq3A = arith.constant 0 : i32
    %eq3A_17 = arith.cmpi eq, %arg0, %eq3A : i32
    %convert_element_type3A = arith.extui %eq3A_17 : i1 to i32
    %cond3A = arith.constant 0 : i32
    %cond3A_18 = arith.cmpi ne, %convert_element_type3A, %cond3A : i32
    scf.if %cond3A_18 {
      "tpu.region"() ({
        %run_scoped3A = tpu.sem_alloc : memref<!tpu.dma_semaphore, #tpu.memory_space<semaphore_mem>>
        %dma_start3A = tpu.memref_slice %arg5[%mul3A_2] : memref<10240xf32, #tpu.memory_space<hbm>> -> memref<640xf32, #tpu.memory_space<hbm>>
        %dma_start3A_24 = tpu.memref_slice %arg5[%mul3A_2] : memref<10240xf32, #tpu.memory_space<hbm>> -> memref<640xf32, #tpu.memory_space<hbm>>
        tpu.enqueue_dma source(%arg10 : memref<640xf32, #tpu.memory_space<vmem>>) target(%dma_start3A_24 : memref<640xf32, #tpu.memory_space<hbm>>) target_semaphore(%run_scoped3A : memref<!tpu.dma_semaphore, #tpu.memory_space<semaphore_mem>>)
        %dma_wait3A = tpu.memref_slice %arg5[%mul3A_2] : memref<10240xf32, #tpu.memory_space<hbm>> -> memref<640xf32, #tpu.memory_space<hbm>>
        %dma_wait3A_25 = tpu.memref_slice %arg5[%mul3A_2] : memref<10240xf32, #tpu.memory_space<hbm>> -> memref<640xf32, #tpu.memory_space<hbm>>
        tpu.wait_dma2 semaphore(%run_scoped3A : memref<!tpu.dma_semaphore, #tpu.memory_space<semaphore_mem>>) src(%arg10 : memref<640xf32, #tpu.memory_space<vmem>>) dst(%dma_wait3A_25 : memref<640xf32, #tpu.memory_space<hbm>>)
        tpu.yield
      }) : () -> ()
    } else {
    }
    %eq3A_19 = arith.constant 1 : i32
    %eq3A_20 = arith.cmpi eq, %arg0, %eq3A_19 : i32
    %convert_element_type3A_21 = arith.extui %eq3A_20 : i1 to i32
    %cond3A_22 = arith.constant 0 : i32
    %cond3A_23 = arith.cmpi ne, %convert_element_type3A_21, %cond3A_22 : i32
    scf.if %cond3A_23 {
      "tpu.region"() ({
        %run_scoped3A = tpu.sem_alloc : memref<!tpu.dma_semaphore, #tpu.memory_space<semaphore_mem>>
        %dma_start3A = tpu.memref_slice %arg6[%mul3A_2] : memref<10240xf32, #tpu.memory_space<hbm>> -> memref<640xf32, #tpu.memory_space<hbm>>
        %dma_start3A_24 = tpu.memref_slice %arg6[%mul3A_2] : memref<10240xf32, #tpu.memory_space<hbm>> -> memref<640xf32, #tpu.memory_space<hbm>>
        tpu.enqueue_dma source(%arg10 : memref<640xf32, #tpu.memory_space<vmem>>) target(%dma_start3A_24 : memref<640xf32, #tpu.memory_space<hbm>>) target_semaphore(%run_scoped3A : memref<!tpu.dma_semaphore, #tpu.memory_space<semaphore_mem>>)
        %dma_wait3A = tpu.memref_slice %arg6[%mul3A_2] : memref<10240xf32, #tpu.memory_space<hbm>> -> memref<640xf32, #tpu.memory_space<hbm>>
        %dma_wait3A_25 = tpu.memref_slice %arg6[%mul3A_2] : memref<10240xf32, #tpu.memory_space<hbm>> -> memref<640xf32, #tpu.memory_space<hbm>>
        tpu.wait_dma2 semaphore(%run_scoped3A : memref<!tpu.dma_semaphore, #tpu.memory_space<semaphore_mem>>) src(%arg10 : memref<640xf32, #tpu.memory_space<vmem>>) dst(%dma_wait3A_25 : memref<640xf32, #tpu.memory_space<hbm>>)
        tpu.yield
      }) : () -> ()
    } else {
    }
    return
  }
}

module attributes {stable_mosaic.version = 14 : i64} {
  func.func @_mm_body(%arg0: i32, %arg1: memref<1000x128xf32, #tpu.memory_space<vmem>>, %arg2: memref<128x128xf32, #tpu.memory_space<vmem>>, %arg3: memref<1000x1xf32, #tpu.memory_space<vmem>>, %arg4: memref<1000x1xf32, #tpu.memory_space<vmem>>, %arg5: memref<1000x128xf32, #tpu.memory_space<vmem>>, %arg6: memref<1000x1xf32, #tpu.memory_space<vmem>>) attributes {dimension_semantics = [#tpu.dimension_semantics<arbitrary>], iteration_bounds = array<i64: 10>, scalar_prefetch = 0 : i64, scratch_operands = 0 : i64, tpu.core_type = #tpu.core_type<tc>, window_params = [{transform_indices = @transform_0, window_bounds = array<i64: 1000, 128>}, {pipeline_mode = #tpu.pipeline_mode<synchronous>, transform_indices = @transform_1, window_bounds = array<i64: 128, 128>}, {transform_indices = @transform_2, window_bounds = array<i64: 1000, 1>}, {transform_indices = @transform_3, window_bounds = array<i64: 1000, 1>}, {transform_indices = @transform_4, window_bounds = array<i64: 1000, 128>}, {transform_indices = @transform_5, window_bounds = array<i64: 1000, 1>}]} {
    %get3A = arith.constant 0 : index
    %get3A_0 = arith.constant 0 : index
    %get3A_1 = vector.load %arg3[%get3A, %get3A_0] : memref<1000x1xf32, #tpu.memory_space<vmem>>, vector<1000x1xf32>
    %get3A_2 = arith.constant 0 : index
    %get3A_3 = arith.constant 0 : index
    %get3A_4 = vector.load %arg4[%get3A_2, %get3A_3] : memref<1000x1xf32, #tpu.memory_space<vmem>>, vector<1000x1xf32>
    %add3A = arith.addf %get3A_1, %get3A_4 : vector<1000x1xf32>
    %add3A_5 = arith.constant 1.000000e+00 : f32
    %add3A_6 = vector.broadcast %add3A_5 : f32 to vector<1000x1xf32>
    %add3A_7 = arith.addf %add3A, %add3A_6 : vector<1000x1xf32>
    %rsqrt3A = math.rsqrt %add3A_7 : vector<1000x1xf32>
    %swap3A = arith.constant 0 : index
    %swap3A_8 = arith.constant 0 : index
    %swap3A_9 = vector.load %arg6[%swap3A, %swap3A_8] : memref<1000x1xf32, #tpu.memory_space<vmem>>, vector<1000x1xf32>
    tpu.vector_store %arg6[%swap3A, %swap3A_8], %rsqrt3A {strides = array<i32>} : memref<1000x1xf32, #tpu.memory_space<vmem>>, vector<1000x1xf32>,
    %get3A_10 = arith.constant 0 : index
    %get3A_11 = arith.constant 0 : index
    %get3A_12 = vector.load %arg1[%get3A_10, %get3A_11] : memref<1000x128xf32, #tpu.memory_space<vmem>>, vector<1000x128xf32>
    %get3A_13 = arith.constant 0 : index
    %get3A_14 = arith.constant 0 : index
    %get3A_15 = vector.load %arg2[%get3A_13, %get3A_14] : memref<128x128xf32, #tpu.memory_space<vmem>>, vector<128x128xf32>
    %dot_general3A = arith.constant dense<0.000000e+00> : vector<1000x128xf32>
    %dot_general3A_16 = tpu.matmul %get3A_12, %get3A_15, %dot_general3A {dimension_numbers = #tpu.dot_dimension_numbers<[1], [0], [0], [1], [0, 0, 1, 1], [], []>, transpose_lhs_hint = false} : vector<1000x128xf32>, vector<128x128xf32>, vector<1000x128xf32> -> vector<1000x128xf32>
    %mul3A = vector.broadcast %rsqrt3A : vector<1000x1xf32> to vector<1000x128xf32>
    %mul3A_17 = arith.mulf %dot_general3A_16, %mul3A : vector<1000x128xf32>
    %swap3A_18 = arith.constant 0 : index
    %swap3A_19 = arith.constant 0 : index
    %swap3A_20 = vector.load %arg5[%swap3A_18, %swap3A_19] : memref<1000x128xf32, #tpu.memory_space<vmem>>, vector<1000x128xf32>
    tpu.vector_store %arg5[%swap3A_18, %swap3A_19], %mul3A_17 {strides = array<i32>} : memref<1000x128xf32, #tpu.memory_space<vmem>>, vector<1000x128xf32>,
    return
  }
  func.func @transform_0(%arg0: i32) -> (i32, i32) {
    %c0_i32 = arith.constant 0 : i32
    %c0_i32_0 = arith.constant 0 : i32
    return %arg0, %c0_i32 : i32, i32
  }
  func.func @transform_1(%arg0: i32) -> (i32, i32) {
    %c0_i32 = arith.constant 0 : i32
    %c0_i32_0 = arith.constant 0 : i32
    %c0_i32_1 = arith.constant 0 : i32
    return %c0_i32, %c0_i32_0 : i32, i32
  }
  func.func @transform_2(%arg0: i32) -> (i32, i32) {
    %c0_i32 = arith.constant 0 : i32
    %c0_i32_0 = arith.constant 0 : i32
    return %arg0, %c0_i32 : i32, i32
  }
  func.func @transform_3(%arg0: i32) -> (i32, i32) {
    %c0_i32 = arith.constant 0 : i32
    %c0_i32_0 = arith.constant 0 : i32
    return %arg0, %c0_i32 : i32, i32
  }
  func.func @transform_4(%arg0: i32) -> (i32, i32) {
    %c0_i32 = arith.constant 0 : i32
    %c0_i32_0 = arith.constant 0 : i32
    return %arg0, %c0_i32 : i32, i32
  }
  func.func @transform_5(%arg0: i32) -> (i32, i32) {
    %c0_i32 = arith.constant 0 : i32
    %c0_i32_0 = arith.constant 0 : i32
    return %arg0, %c0_i32 : i32, i32
  }
}

module attributes {stable_mosaic.version = 14 : i64} {
  func.func @_fin_body(%arg0: i32, %arg1: memref<1000x128xf32, #tpu.memory_space<vmem>>, %arg2: memref<1000x128xf32, #tpu.memory_space<vmem>>, %arg3: memref<1000x128xf32, #tpu.memory_space<vmem>>, %arg4: memref<1000x1xf32, #tpu.memory_space<vmem>>, %arg5: memref<1x128xf32, #tpu.memory_space<vmem>>, %arg6: memref<1000x128xf32, #tpu.memory_space<vmem>>) attributes {dimension_semantics = [#tpu.dimension_semantics<arbitrary>], iteration_bounds = array<i64: 10>, scalar_prefetch = 0 : i64, scratch_operands = 0 : i64, tpu.core_type = #tpu.core_type<tc>, window_params = [{transform_indices = @transform_0, window_bounds = array<i64: 1000, 128>}, {transform_indices = @transform_1, window_bounds = array<i64: 1000, 128>}, {transform_indices = @transform_2, window_bounds = array<i64: 1000, 128>}, {transform_indices = @transform_3, window_bounds = array<i64: 1000, 1>}, {pipeline_mode = #tpu.pipeline_mode<synchronous>, transform_indices = @transform_4, window_bounds = array<i64: 1, 128>}, {transform_indices = @transform_5, window_bounds = array<i64: 1000, 128>}]} {
    %get3A = arith.constant 0 : index
    %get3A_0 = arith.constant 0 : index
    %get3A_1 = vector.load %arg1[%get3A, %get3A_0] : memref<1000x128xf32, #tpu.memory_space<vmem>>, vector<1000x128xf32>
    %get3A_2 = arith.constant 0 : index
    %get3A_3 = arith.constant 0 : index
    %get3A_4 = vector.load %arg2[%get3A_2, %get3A_3] : memref<1000x128xf32, #tpu.memory_space<vmem>>, vector<1000x128xf32>
    %add3A = arith.addf %get3A_1, %get3A_4 : vector<1000x128xf32>
    %get3A_5 = arith.constant 0 : index
    %get3A_6 = arith.constant 0 : index
    %get3A_7 = vector.load %arg3[%get3A_5, %get3A_6] : memref<1000x128xf32, #tpu.memory_space<vmem>>, vector<1000x128xf32>
    %add3A_8 = arith.addf %add3A, %get3A_7 : vector<1000x128xf32>
    %get3A_9 = arith.constant 0 : index
    %get3A_10 = arith.constant 0 : index
    %get3A_11 = vector.load %arg4[%get3A_9, %get3A_10] : memref<1000x1xf32, #tpu.memory_space<vmem>>, vector<1000x1xf32>
    %mul3A = vector.broadcast %get3A_11 : vector<1000x1xf32> to vector<1000x128xf32>
    %mul3A_12 = arith.mulf %mul3A, %add3A_8 : vector<1000x128xf32>
    %get3A_13 = arith.constant 0 : index
    %get3A_14 = arith.constant 0 : index
    %get3A_15 = vector.load %arg5[%get3A_13, %get3A_14] : memref<1x128xf32, #tpu.memory_space<vmem>>, vector<1x128xf32>
    %add3A_16 = vector.broadcast %get3A_15 : vector<1x128xf32> to vector<1000x128xf32>
    %add3A_17 = arith.addf %mul3A_12, %add3A_16 : vector<1000x128xf32>
    %max3A = arith.constant 0.000000e+00 : f32
    %max3A_18 = vector.broadcast %max3A : f32 to vector<1000x128xf32>
    %max3A_19 = arith.maximumf %add3A_17, %max3A_18 : vector<1000x128xf32>
    %swap3A = arith.constant 0 : index
    %swap3A_20 = arith.constant 0 : index
    %swap3A_21 = vector.load %arg6[%swap3A, %swap3A_20] : memref<1000x128xf32, #tpu.memory_space<vmem>>, vector<1000x128xf32>
    tpu.vector_store %arg6[%swap3A, %swap3A_20], %max3A_19 {strides = array<i32>} : memref<1000x128xf32, #tpu.memory_space<vmem>>, vector<1000x128xf32>,
    return
  }
  func.func @transform_0(%arg0: i32) -> (i32, i32) {
    %c0_i32 = arith.constant 0 : i32
    %c0_i32_0 = arith.constant 0 : i32
    return %arg0, %c0_i32 : i32, i32
  }
  func.func @transform_1(%arg0: i32) -> (i32, i32) {
    %c0_i32 = arith.constant 0 : i32
    %c0_i32_0 = arith.constant 0 : i32
    return %arg0, %c0_i32 : i32, i32
  }
  func.func @transform_2(%arg0: i32) -> (i32, i32) {
    %c0_i32 = arith.constant 0 : i32
    %c0_i32_0 = arith.constant 0 : i32
    return %arg0, %c0_i32 : i32, i32
  }
  func.func @transform_3(%arg0: i32) -> (i32, i32) {
    %c0_i32 = arith.constant 0 : i32
    %c0_i32_0 = arith.constant 0 : i32
    return %arg0, %c0_i32 : i32, i32
  }
  func.func @transform_4(%arg0: i32) -> (i32, i32) {
    %c0_i32 = arith.constant 0 : i32
    %c0_i32_0 = arith.constant 0 : i32
    %c0_i32_1 = arith.constant 0 : i32
    return %c0_i32, %c0_i32_0 : i32, i32
  }
  func.func @transform_5(%arg0: i32) -> (i32, i32) {
    %c0_i32 = arith.constant 0 : i32
    %c0_i32_0 = arith.constant 0 : i32
    return %arg0, %c0_i32 : i32, i32
  }
}

</mosaic_0001>

<sc_bundles>
// kernel: kernel.6.cloned.1.call-start
scs
__scs_entry_jumppad:
0x0: {  	(pc) =	sbr.rel $0x88, $3  }
0x1: {  	(tag) =	ssettag $0x0;
	lr =	simm.s32 $0x1  }
0x2: {  	[smem:$0x3F9D] =	sst lr;
	_ =	strace $0xD0000000  }
0x3: {  	_ = 	snop  }
0x4: {  	_ = 	snop  }
0x5: {  	_ = 	snop  }
0x6: {  	_ = 	snop  }
0x7: {  	_ = 	snop  }
__scs_overlays_trampoline_lowered:
0x8: {  	[smem:$0x3FAC] =	sst s0  }
0x9: {  	[smem:$0x3FAD] =	sst s1  }
0xa: {  	[smem:$0x3FAE] =	sst s2  }
0xb: {  	[smem:$0x3FAF] =	sst s3  }
0xc: {  	[smem:$0x3FB0] =	sst s4  }
0xd: {  	[smem:$0x3FB1] =	sst s5  }
0xe: {  	[smem:$0x3FB2] =	sst s6  }
0xf: {  	[smem:$0x3FB3] =	sst s7  }
0x10: {  	[smem:$0x3FB4] =	sst s8  }
0x11: {  	[smem:$0x3FB5] =	sst s9;
	s0 =	simm.s32 @!p0 $0x0  }
0x12: {  	s1 =	sld [smem:$0x3F9B];
	s0 =	simm.s32 @p0 $0x1  }
0x13: {  	[smem:$0x3FB6] =	sst s0;
	s0 =	simm.s32 @!p1 $0x0  }
0x14: {  	s2 =	sld [smem:$0x3F9A];
	s0 =	simm.s32 @p1 $0x1  }
0x15: {  	[smem:$0x3FB7] =	sst s0;
	s0 =	simm.s32 @!p2 $0x0  }
0x16: {  	s3 =	sld [smem:$0x3FDB];
	s0 =	simm.s32 @p2 $0x1  }
0x17: {  	s4 =	simm.s32 $0x1BF5;
	[smem:$0x3FB9] =	sst s0  }
0x18: {  	s0 =	sld [smem:$0x3F9C];
	_ =	swait.ge [sflag:s4], $0x0  }
0x19: {  	s7 =	sld [smem:$0x3F9D]  }
0x1a: {  	s8 =	sadd.s32 $0xFFFFE003, lr  }
0x1b: {  	s9 =	sadd.s32 $0xFFFFFEF7, lr;
	s5 =	simm.s32 $0xFFFFFFFF;
	p2 =	slt.u32 s8, $0xFFFFF086  }
0x1c: {  	p1 =	slt.u32 s9, $0xF7A;
	s5 =	simm.s32 @!p2 $0x0  }
0x1d: {  	s5 =	simm.s32 @p1 $0x1;
	p0 =	seq.s32 s7, s2  }
0x1e: {  	s7 =	smul.u32 @!p0 $0xF7A, s2;
	p2 =	seq.s32 @!p0 s5, $0x0  }
0x1f: {  	s9 =	smul.u32 $0xF7A, s1;
	s8 =	simm.s32 @!p0 $0x1BF5;
	p2 =	por !p2, p0  }
0x20: {  	[sflag:s8] =	ssyncset.s32 @!p0 $0xFFFFF086;
	s6 =	sadd.s32 @!p0 s3, s7;
	s7 =	simm.s32 @!p0 $0x108  }
0x21: {  	s3 =	sadd.s32 s3, s9;
	s6 =	sadd.s32 @!p0 $0x88, s6;
	s7 =	simm.s32 @p2 $0x1082  }
0x22: {  	[simem:s7], [sflag:s8] =	dma.local @!p0 [hbm:s6], $0xF7A  }
0x23: {  	s9 =	sor.u32 $0xD0000000, s2;
	s6 =	simm.s32 $0x108;
	_ =	swait.ge @!p0 [sflag:s8], $0x0  }
0x24: {  	s3 =	sadd.s32 $0x88, s3;
	s6 =	simm.s32 @!p1 $0x1082;
	[sflag:s4] =	ssyncset.s32 $0xFFFFF086  }
0x25: {  	[simem:s6], [sflag:s4] =	dma.local [hbm:s3], $0xF7A  }
0x26: {  	[smem:$0x3F9D] =	sst s1;
	(tag) =	ssettag s2;
	_ =	strace s9  }
0x27: {  	s1 =	sld [smem:$0x3FAD]  }
0x28: {  	s2 =	sld [smem:$0x3FAE]  }
0x29: {  	s4 =	sld [smem:$0x3FB0]  }
0x2a: {  	p0 =	seq.s32 s5, $0x0;
	s5 =	sld [smem:$0x3FB1]  }
0x2b: {  	s6 =	sld [smem:$0x3FB2]  }
0x2c: {  	s7 =	sld [smem:$0x3FB3]  }
0x2d: {  	s3 =	simm.s32 $0x108;
	s8 =	sld [smem:$0x3FB4]  }
0x2e: {  	s3 =	simm.s32 @!p0 $0x1082;
	s9 =	sld [smem:$0x3FB5]  }
0x2f: {  	lr =	sadd.s32 s0, s3;
	s0 =	sld [smem:$0x3FAC]  }
0x30: {  	s3 =	sld [smem:$0x3FAF]  }
0x31: {  	[smem:$0x3FB8] =	sst s10  }
0x32: {  	s10 =	sld [smem:$0x3FB6];
	_ =	sdelay $0x3  }
0x33: {  	p0 =	seq.s32 s10, $0x1;
	s10 =	sld [smem:$0x3FB8];
	_ =	sdelay $0x3  }
0x34: {  	[smem:$0x3FB8] =	sst s10  }
0x35: {  	s10 =	sld [smem:$0x3FB7];
	_ =	sdelay $0x3  }
0x36: {  	p1 =	seq.s32 s10, $0x1;
	s10 =	sld [smem:$0x3FB8];
	_ =	sdelay $0x3  }
0x37: {  	[smem:$0x3FB8] =	sst s10  }
0x38: {  	s10 =	sld [smem:$0x3FB9]  }
0x39: {  	_ = 	snop;
	(pc) =	sbr.ind lr, $3  }
0x3a: {  	_ = 	snop  }
0x3b: {  	_ = 	snop  }
0x3c: {  	p2 =	seq.s32 s10, $0x1;
	s10 =	sld [smem:$0x3FB8]  }
0x3d: {  	_ =	shalt  }
0x3e: {  	_ =	shalt  }
0x3f: {  	_ =	shalt  }
0x40: {  	_ =	shalt  }
0x41: {  	_ =	shalt  }
0x42: {  	_ =	shalt  }
0x43: {  	_ =	shalt  }
0x44: {  	_ =	shalt  }
0x45: {  	_ =	shalt  }
0x46: {  	_ =	shalt  }
0x47: {  	_ =	shalt  }
0x48: {  	_ =	shalt  }
0x49: {  	_ =	shalt  }
0x4a: {  	_ =	shalt  }
0x4b: {  	_ =	shalt  }
0x4c: {  	_ =	shalt  }
0x4d: {  	_ =	shalt  }
0x4e: {  	_ =	shalt  }
0x4f: {  	_ =	shalt  }
0x50: {  	_ =	shalt  }
0x51: {  	_ =	shalt  }
0x52: {  	_ =	shalt  }
0x53: {  	_ =	shalt  }
0x54: {  	_ =	shalt  }
0x55: {  	_ =	shalt  }
0x56: {  	_ =	shalt  }
0x57: {  	_ =	shalt  }
0x58: {  	_ =	shalt  }
0x59: {  	_ =	shalt  }
0x5a: {  	_ =	shalt  }
0x5b: {  	_ =	shalt  }
0x5c: {  	_ =	shalt  }
0x5d: {  	_ =	shalt  }
0x5e: {  	_ =	shalt  }
0x5f: {  	_ =	shalt  }
0x60: {  	_ =	shalt  }
0x61: {  	_ =	shalt  }
0x62: {  	_ =	shalt  }
0x63: {  	_ =	shalt  }
0x64: {  	_ =	shalt  }
0x65: {  	_ =	shalt  }
0x66: {  	_ =	shalt  }
0x67: {  	_ =	shalt  }
0x68: {  	_ =	shalt  }
0x69: {  	_ =	shalt  }
0x6a: {  	_ =	shalt  }
0x6b: {  	_ =	shalt  }
0x6c: {  	_ =	shalt  }
0x6d: {  	_ =	shalt  }
0x6e: {  	_ =	shalt  }
0x6f: {  	_ =	shalt  }
0x70: {  	_ =	shalt  }
0x71: {  	_ =	shalt  }
0x72: {  	_ =	shalt  }
0x73: {  	_ =	shalt  }
0x74: {  	_ =	shalt  }
0x75: {  	_ =	shalt  }
0x76: {  	_ =	shalt  }
0x77: {  	_ =	shalt  }
0x78: {  	_ =	shalt  }
0x79: {  	_ =	shalt  }
0x7a: {  	_ =	shalt  }
0x7b: {  	_ =	shalt  }
0x7c: {  	_ =	shalt  }
0x7d: {  	_ =	shalt  }
0x7e: {  	_ =	shalt  }
0x7f: {  	_ =	shalt  }
0x80: {  	_ =	shalt  }
0x81: {  	_ =	shalt  }
0x82: {  	_ =	shalt  }
0x83: {  	_ =	shalt  }
0x84: {  	_ =	shalt  }
0x85: {  	_ =	shalt  }
0x86: {  	_ =	shalt  }
0x87: {  	_ =	shalt  }
.Lfunc_end0:
.L_simem_size_0:
called_computation_lowered:
.L_overlay_start_0:
0x88: {  	s2 =	sld [smem:$0x3FD9]  }
0x89: {  	s3 =	sld [smem:$0x3FFE];
	_ =	sdelay $0x1  }
0x8a: {  	s1 =	srdreg.scid  }
0x8b: {  	s0 =	sand.u32 $0x1, s1  }
0x8c: {  	s17 =	sshll.u32 s0, $0xA;
	s2 =	sadd.s32 s3, s2  }
0x8d: {  	s2 =	sadd.s32 s2, s17  }
0x8e: {  	[smem:$0x3FC4] =	sst s2  }
0x8f: {  	_ = 	snop  }
0x90: {  	s2 =	sld [smem:$0x3FD0];
	(tm) =	ssettm $0x1  }
0x91: {  	s18 =	sld [smem:$0x3FFB];
	_ =	sdelay $0x3  }
0x92: {  	_ =	strace s18  }
0x93: {  	s3 =	sld [smem:$0x3FFC];
	_ =	sdelay $0x3  }
0x94: {  	_ =	strace s3  }
0x95: {  	s3 =	sld [smem:$0x3FFD];
	_ =	sdelay $0x3  }
0x96: {  	_ =	strace s3  }
0x97: {  	_ =	strace $0x8FFFFFFF  }
0x98: {  	s19 =	sld [smem:$0x3FDB];
	_ =	sdelay $0x1  }
0x99: {  	s4 =	simm.s32 $_scs_section_size  }
0x9a: {  	s5 =	simm.s32 $_size__tile_overlayer_lowered;
	s6 =	simm.s32 $_tile_overlayer_lowered  }
0x9b: {  	s22 =	simm.s32 $0x1BFF;
	s21 =	sshll.u32 s6, $0x1;
	s3 =	sadd.s32 s4, s19  }
0x9c: {  	s7 =	simm.s32 $0x0;
	s20 =	sshll.u32 s5, $0x1;
	s5 =	sadd.s32 s21, s3  }
0x9d: {  	[timem:s7], [sflag:s22] =	dma.local [hbm:s5], s20  }
0x9e: {  	_ =	swait.ge [sflag:s22], s20  }
0x9f: {  	s4 =	ssub.s32 $0x0, s20;
	[sflag:s22] =	ssyncset.done $0x0  }
0xa0: {  	[sflag:s22] =	ssyncadd.s32 s4;
	_ =	sdelay $0x1  }
0xa1: {  	s23 =	simm.s32 $0x1B8B  }
0xa2: {  	_ =	swait.ge [sflag:s23], $0x1  }
0xa3: {  	[sflag:s23] =	ssyncset.done $0x0  }
0xa4: {  	s25 =	simm.s32 $0x1B8E;
	s24 =	sld [smem:$0x3FFE];
	[sflag:s23] =	ssyncadd.s32 $0xFFFFFFFF  }
0xa5: {  	s26 =	simm.s32 $execute0_lowered;
	[smem:$0x3FD2] =	sst s25  }
0xa6: {  	s5 =	sshll.u32 s26, $0x1;
	_ =	strace $0x80000046;
	[dreg:$0x1] =	wrdreg $0xFFFFFFFF  }
0xa7: {  	s28 =	simm.s32 $_size_execute0_lowered;
	s3 =	sadd.s32 s3, s5;
	[dreg:$0x0] =	wrdreg $0x0  }
0xa8: {  	s5 =	sshll.u32 s28, $0x1;
	[dreg:$0x2] =	wrdreg s3  }
0xa9: {  	[dreg:$0x3] =	wrdreg s5  }
0xaa: {  	[dreg:$0x4] =	wrdreg $0xC0  }
0xab: {  	_ =	task [dreg:s7], $0x5FFFF  }
0xac: {  	[dreg:$0x1] =	wrdreg $0xFFFFFFFF  }
0xad: {  	[dreg:$0x0] =	wrdreg $0x60  }
0xae: {  	[dreg:$0x2] =	wrdreg s24  }
0xaf: {  	[dreg:$0x3] =	wrdreg s2  }
0xb0: {  	[dreg:$0x4] =	wrdreg $0x28800  }
0xb1: {  	[dreg:$0x5] =	wrdreg $0x9  }
0xb2: {  	_ =	task.clear_ibuf [dreg:s7], $0x6FFFF;
	_ =	strace $0x90000046  }
0xb3: {  	s29 =	simm.s32 $0x9;
	_ =	strace $0x80000048  }
0xb4: {  	_ =	swait.ge [sflag:s29], $0x1  }
0xb5: {  	[sflag:s29] =	ssyncadd.s32 $0xFFFFFFFF  }
0xb6: {  	_ =	strace $0x90000048  }
0xb7: {  	_ =	sfence  }
0xb8: {  	s30 =	sld [smem:$0x0];
	_ =	sdelay $0x2  }
0xb9: {  	s31 =	sshll.u32 s1, $0xD;
	s1 =	sshrl.u32 s1, $0x2  }
0xba: {  	s3 =	sand.u32 $0x4000, s31;
	s1 =	sadd.s32 s1, s30  }
0xbb: {  	s0 =	sor.u32 s3, s0;
	s1 =	sshll.u32 s1, $0x11  }
0xbc: {  	s0 =	sor.u32 s1, s0  }
0xbd: {  	s0 =	sadd.s32 $0x8F2B, s0  }
0xbe: {  	[sflag:s0] =	ssyncadd.remote.s32 $0x1  }
0xbf: {  	_ =	sfence.sel $0xFFFF  }
0xc0: {  	[dreg:$0x0] =	wrdreg $0xFFFFFFFF;
	(pc) =	sbr.abs _section_cstart, $3  }
0xc1: {  	[dreg:$0x1] =	wrdreg $0xFFFFFFFF  }
0xc2: {  	_ =	task.clear_ibuf [dreg:s7], $0x2FFFF;
	_ =	strace $0x9FFFFFFF  }
0xc3: {  	(tm) =	ssettm $0x7FFFFFFF  }
tec
execute0_lowered:
.L_overlay_start_1:
0x0: {  	(tag) =	ssettag $0x1  }
0x1: {  	s9 =	rddreg [dreg:$0x0]  }
0x2: {  	s5 =	rddreg [dreg:$0x1]  }
0x3: {  	s1 =	srdreg.scid;
	s0 =	stileid.u32  }
0x4: {  	s2 =	rddreg [dreg:$0x2];
	s3 =	simm.s32 $0x0;
	s13 =	simm.s32 $0x16C00  }
0x5: {  	s14 =	simm.s32 $0x0;
	s6 =	sand.u32 $0x1, s1;
	s1 =	rddreg [dreg:$0x3]  }
0x6: {  	s4 =	sshll.u32 s0, $0x1;
	[smem:$0x7FF] =	sst s3;
	s10 =	smul.u32 $0x280, s0  }
0x7: {  	s4 =	sor.u32 s6, s4;
	s7 =	ssub.s32 $0x2, s6;
	_ =	strace $0x80000047  }
0x8: {  	p0 =	seq.s32 s6, $0x1;
	s4 =	smul.u32 $0x500, s4;
	s8 =	sshrl.u32 s7, $0x1  }
0x9: {  	s12 =	sshrl.u32 s10, $0x3;
	s6 =	sadd.s32 s10, s2;
	s13 =	simm.s32 @!p0 $0x17200  }
0xa: {  	s10 =	simm.s32 $0x2B00;
	s8 =	ssub.s32 s7, s8;
	s5 =	sadd.s32 s5, s12  }
0xb: {  	s11 =	sadd.s32 s4, s9;
	s4 =	sadd.s32 $0x16A00, s9;
	s8 =	smax.u32 s8, $0x1  }
0xc: {  	s9 =	sadd.s32 s13, s9;
	s13 =	simm.s32 $0x1;
	s7 =	sadd.s32 $0x2A00, s11  }
0xd: {  	s9 =	sadd.s32 s9, s12;
	s11 =	simm.s32 $0x2;
	s12 =	simm.s32 $0x80  }
.LBB2_1:
0xe: {  	[tilespmem:s10], [sflag:$0x2] =	stream.linear.gather [hbm4b:s5+s3], $0x280, $0x38;
	[tilespmem:$0x2D80] =	vst v63  }
0xf: {  	_ =	swait.ge [sflag:s11], $0x280  }
0x10: {  	[sflag:s11] =	ssyncset.done $0x0  }
0x11: {  	[sflag:s11] =	ssyncadd.s32 $0xFFFFFD80  }
0x12: {  	[spmem:s6] =	stream.linear.scatter [tilespmem:s10], [sflag:$0x2], $0x280, $0x38;
	[tilespmem:$0x2D80] =	vst v63  }
0x13: {  	_ =	swait.ge [sflag:s11], $0x280  }
0x14: {  	[sflag:s11] =	ssyncset.done $0x0  }
0x15: {  	[sflag:s11] =	ssyncadd.s32 $0xFFFFFD80  }
0x16: {  	[tilespmem:s3], [sflag:$0x2] =	stream.linear.gather [hbm4b:s4+s3], $0x80, $0x38;
	[tilespmem:$0x2D80] =	vst v63  }
0x17: {  	_ =	swait.ge [sflag:s11], $0x80  }
0x18: {  	[sflag:s11] =	ssyncset.done $0x0  }
0x19: {  	[sflag:s11] =	ssyncadd.s32 $0xFFFFFF80  }
0x1a: {  	[tilespmem:s12], [sflag:$0x2] =	stream.linear.gather [hbm4b:s7+s3], $0x2800, $0x38;
	[tilespmem:$0x2D80] =	vst v63  }
0x1b: {  	_ =	swait.ge [sflag:s11], $0x2800  }
0x1c: {  	[sflag:s11] =	ssyncset.done $0x0  }
0x1d: {  	[sflag:s11] =	ssyncadd.s32 $0xFFFFD800  }
0x1e: {  	s15 =	simm.s32 $0x0;
	[bflag:$0x0] =	sbarrier.arrive $0xFFFF  }
.LBB2_2:
0x1f: {  	p0 =	sne.s32 s15, $0x9E00  }
.Ltmp0:
0x20: {  	_ = 	snop;
	(pc) =	sbr.rel @p0 .LBB2_2-.Ltmp0, $4  }
0x21: {  	_ = 	snop  }
0x22: {  	s16 =	sshra.s32 s15, $0x2  }
0x23: {  	s15 =	sadd.s32 $0x200, s15;
	s16 =	sadd.s32 $0x80, s16  }
0x24: {  	[spmem:s2] =	stream.indirect.scatter.add.f32 [tilespmem:s3], [sflag:$0x1], $0x1, s16, s12, $0xb8;
	[tilespmem:$0x2D80] =	vst v63  }
0x25: {  	_ =	swait.ge [sflag:s13], $0x80  }
0x26: {  	s15 =	simm.s32 $0x4F;
	[sflag:s13] =	ssyncset.done $0x0  }
.LBB2_4:
0x27: {  	p0 =	sne.s32 s15, $0x1;
	s15 =	sadd.s32 $0xFFFFFFFF, s15;
	[sflag:s13] =	ssyncadd.s32 $0xFFFFFF80  }
.Ltmp1:
0x28: {  	(pc) =	sbr.rel @p0 .LBB2_4-.Ltmp1, $3  }
0x29: {  	_ =	sdelay $0x1  }
0x2a: {  	_ =	swait.ge [sflag:s13], $0x80  }
0x2b: {  	[sflag:s13] =	ssyncset.done $0x0  }
0x2c: {  	[sflag:s13] =	ssyncadd.s32 $0xFFFFFF80  }
0x2d: {  	[bflag:$0x0] =	sbarrier.arrive $0xFFFF  }
0x2e: {  	[tilespmem:s10], [sflag:$0x2] =	stream.linear.gather [spmem:s6], $0x280, $0x38;
	[tilespmem:$0x2D80] =	vst v63  }
0x2f: {  	s14 =	sadd.s32 $0x1, s14;
	_ =	swait.ge [sflag:s11], $0x280  }
0x30: {  	p0 =	sne.s32 s14, s8;
	[sflag:s11] =	ssyncset.done $0x0  }
.Ltmp2:
0x31: {  	[sflag:s11] =	ssyncadd.s32 $0xFFFFFD80;
	(pc) =	sbr.rel @p0 .LBB2_1-.Ltmp2, $4  }
0x32: {  	[hbm4b:s9+s3] =	stream.linear.scatter [tilespmem:s10], [sflag:$0x2], $0x280, $0x38;
	[tilespmem:$0x2D80] =	vst v63  }
0x33: {  	_ =	swait.ge [sflag:s11], $0x280  }
0x34: {  	[sflag:s11] =	ssyncset.done $0x0  }
0x35: {  	[sflag:s11] =	ssyncadd.s32 $0xFFFFFD80  }
0x36: {  	_ =	sfence.sel $0x180000  }
0x37: {  	[bflag:$0x0] =	sbarrier.arrive $0xFFFF  }
0x38: {  	p0 =	sne.s32 s0, $0x0;
	_ =	strace $0x90000047  }
0x39: {  	s0 =	sadd.s32 @!p0 $0x100000, s1;
	[bflag:$0x2] =	sbarrier.arrive $0xFFFF  }
0x3a: {  	[sflag:s0] =	ssyncadd.tile.s32 @!p0 $0x1;
	_ =	shalt  }
.Lfunc_end2:
_tile_overlayer_lowered:
.L_overlay_start_2:
0x3b: {  	(tag) =	ssettag $0x2  }
0x3c: {  	s0 =	rddreg [dreg:$0x0];
	s2 =	stileid.u32  }
0x3d: {  	s1 =	rddreg [dreg:$0x1];
	p0 =	sne.s32 s2, $0x0  }
0x3e: {  	s3 =	rddreg [dreg:$0x2];
	[bflag:$0x3] =	sbarrier.arrive $0xFFFF;
	s2 =	simm.s32 @!p0 $0x1C02  }
0x3f: {  	[timem:s3], [sflag:s2] =	dma.local @!p0 [hbm:s0], s1  }
0x40: {  	s0 =	simm.s32 @!p0 $0x2  }
0x41: {  	_ =	swait.ge @!p0 [sflag:s0], s1  }
0x42: {  	s1 =	ssub.s32 @!p0 $0x0, s1;
	[sflag:s0] =	ssyncset.done @!p0 $0x0  }
0x43: {  	[sflag:s0] =	ssyncadd.s32 @!p0 s1  }
0x44: {  	[bflag:$0x3] =	sbarrier.arrive $0xFFFF  }
0x45: {  	_ =	shalt  }

// kernel: kernel.9.cloned.1.call-start
scs
__scs_entry_jumppad:
0x0: {  	(pc) =	sbr.rel $0x88, $3  }
0x1: {  	(tag) =	ssettag $0x0;
	lr =	simm.s32 $0x1  }
0x2: {  	[smem:$0x3F9D] =	sst lr;
	_ =	strace $0xD0000000  }
0x3: {  	_ = 	snop  }
0x4: {  	_ = 	snop  }
0x5: {  	_ = 	snop  }
0x6: {  	_ = 	snop  }
0x7: {  	_ = 	snop  }
__scs_overlays_trampoline_lowered:
0x8: {  	[smem:$0x3FAC] =	sst s0  }
0x9: {  	[smem:$0x3FAD] =	sst s1  }
0xa: {  	[smem:$0x3FAE] =	sst s2  }
0xb: {  	[smem:$0x3FAF] =	sst s3  }
0xc: {  	[smem:$0x3FB0] =	sst s4  }
0xd: {  	[smem:$0x3FB1] =	sst s5  }
0xe: {  	[smem:$0x3FB2] =	sst s6  }
0xf: {  	[smem:$0x3FB3] =	sst s7  }
0x10: {  	[smem:$0x3FB4] =	sst s8  }
0x11: {  	[smem:$0x3FB5] =	sst s9;
	s0 =	simm.s32 @!p0 $0x0  }
0x12: {  	s1 =	sld [smem:$0x3F9B];
	s0 =	simm.s32 @p0 $0x1  }
0x13: {  	[smem:$0x3FB6] =	sst s0;
	s0 =	simm.s32 @!p1 $0x0  }
0x14: {  	s2 =	sld [smem:$0x3F9A];
	s0 =	simm.s32 @p1 $0x1  }
0x15: {  	[smem:$0x3FB7] =	sst s0;
	s0 =	simm.s32 @!p2 $0x0  }
0x16: {  	s3 =	sld [smem:$0x3FDB];
	s0 =	simm.s32 @p2 $0x1  }
0x17: {  	s4 =	simm.s32 $0x1BF5;
	[smem:$0x3FB9] =	sst s0  }
0x18: {  	s0 =	sld [smem:$0x3F9C];
	_ =	swait.ge [sflag:s4], $0x0  }
0x19: {  	s7 =	sld [smem:$0x3F9D]  }
0x1a: {  	s8 =	sadd.s32 $0xFFFFE003, lr  }
0x1b: {  	s9 =	sadd.s32 $0xFFFFFEF7, lr;
	s5 =	simm.s32 $0xFFFFFFFF;
	p2 =	slt.u32 s8, $0xFFFFF086  }
0x1c: {  	p1 =	slt.u32 s9, $0xF7A;
	s5 =	simm.s32 @!p2 $0x0  }
0x1d: {  	s5 =	simm.s32 @p1 $0x1;
	p0 =	seq.s32 s7, s2  }
0x1e: {  	s7 =	smul.u32 @!p0 $0xF7A, s2;
	p2 =	seq.s32 @!p0 s5, $0x0  }
0x1f: {  	s9 =	smul.u32 $0xF7A, s1;
	s8 =	simm.s32 @!p0 $0x1BF5;
	p2 =	por !p2, p0  }
0x20: {  	[sflag:s8] =	ssyncset.s32 @!p0 $0xFFFFF086;
	s6 =	sadd.s32 @!p0 s3, s7;
	s7 =	simm.s32 @!p0 $0x108  }
0x21: {  	s3 =	sadd.s32 s3, s9;
	s6 =	sadd.s32 @!p0 $0x88, s6;
	s7 =	simm.s32 @p2 $0x1082  }
0x22: {  	[simem:s7], [sflag:s8] =	dma.local @!p0 [hbm:s6], $0xF7A  }
0x23: {  	s9 =	sor.u32 $0xD0000000, s2;
	s6 =	simm.s32 $0x108;
	_ =	swait.ge @!p0 [sflag:s8], $0x0  }
0x24: {  	s3 =	sadd.s32 $0x88, s3;
	s6 =	simm.s32 @!p1 $0x1082;
	[sflag:s4] =	ssyncset.s32 $0xFFFFF086  }
0x25: {  	[simem:s6], [sflag:s4] =	dma.local [hbm:s3], $0xF7A  }
0x26: {  	[smem:$0x3F9D] =	sst s1;
	(tag) =	ssettag s2;
	_ =	strace s9  }
0x27: {  	s1 =	sld [smem:$0x3FAD]  }
0x28: {  	s2 =	sld [smem:$0x3FAE]  }
0x29: {  	s4 =	sld [smem:$0x3FB0]  }
0x2a: {  	p0 =	seq.s32 s5, $0x0;
	s5 =	sld [smem:$0x3FB1]  }
0x2b: {  	s6 =	sld [smem:$0x3FB2]  }
0x2c: {  	s7 =	sld [smem:$0x3FB3]  }
0x2d: {  	s3 =	simm.s32 $0x108;
	s8 =	sld [smem:$0x3FB4]  }
0x2e: {  	s3 =	simm.s32 @!p0 $0x1082;
	s9 =	sld [smem:$0x3FB5]  }
0x2f: {  	lr =	sadd.s32 s0, s3;
	s0 =	sld [smem:$0x3FAC]  }
0x30: {  	s3 =	sld [smem:$0x3FAF]  }
0x31: {  	[smem:$0x3FB8] =	sst s10  }
0x32: {  	s10 =	sld [smem:$0x3FB6];
	_ =	sdelay $0x3  }
0x33: {  	p0 =	seq.s32 s10, $0x1;
	s10 =	sld [smem:$0x3FB8];
	_ =	sdelay $0x3  }
0x34: {  	[smem:$0x3FB8] =	sst s10  }
0x35: {  	s10 =	sld [smem:$0x3FB7];
	_ =	sdelay $0x3  }
0x36: {  	p1 =	seq.s32 s10, $0x1;
	s10 =	sld [smem:$0x3FB8];
	_ =	sdelay $0x3  }
0x37: {  	[smem:$0x3FB8] =	sst s10  }
0x38: {  	s10 =	sld [smem:$0x3FB9]  }
0x39: {  	_ = 	snop;
	(pc) =	sbr.ind lr, $3  }
0x3a: {  	_ = 	snop  }
0x3b: {  	_ = 	snop  }
0x3c: {  	p2 =	seq.s32 s10, $0x1;
	s10 =	sld [smem:$0x3FB8]  }
0x3d: {  	_ =	shalt  }
0x3e: {  	_ =	shalt  }
0x3f: {  	_ =	shalt  }
0x40: {  	_ =	shalt  }
0x41: {  	_ =	shalt  }
0x42: {  	_ =	shalt  }
0x43: {  	_ =	shalt  }
0x44: {  	_ =	shalt  }
0x45: {  	_ =	shalt  }
0x46: {  	_ =	shalt  }
0x47: {  	_ =	shalt  }
0x48: {  	_ =	shalt  }
0x49: {  	_ =	shalt  }
0x4a: {  	_ =	shalt  }
0x4b: {  	_ =	shalt  }
0x4c: {  	_ =	shalt  }
0x4d: {  	_ =	shalt  }
0x4e: {  	_ =	shalt  }
0x4f: {  	_ =	shalt  }
0x50: {  	_ =	shalt  }
0x51: {  	_ =	shalt  }
0x52: {  	_ =	shalt  }
0x53: {  	_ =	shalt  }
0x54: {  	_ =	shalt  }
0x55: {  	_ =	shalt  }
0x56: {  	_ =	shalt  }
0x57: {  	_ =	shalt  }
0x58: {  	_ =	shalt  }
0x59: {  	_ =	shalt  }
0x5a: {  	_ =	shalt  }
0x5b: {  	_ =	shalt  }
0x5c: {  	_ =	shalt  }
0x5d: {  	_ =	shalt  }
0x5e: {  	_ =	shalt  }
0x5f: {  	_ =	shalt  }
0x60: {  	_ =	shalt  }
0x61: {  	_ =	shalt  }
0x62: {  	_ =	shalt  }
0x63: {  	_ =	shalt  }
0x64: {  	_ =	shalt  }
0x65: {  	_ =	shalt  }
0x66: {  	_ =	shalt  }
0x67: {  	_ =	shalt  }
0x68: {  	_ =	shalt  }
0x69: {  	_ =	shalt  }
0x6a: {  	_ =	shalt  }
0x6b: {  	_ =	shalt  }
0x6c: {  	_ =	shalt  }
0x6d: {  	_ =	shalt  }
0x6e: {  	_ =	shalt  }
0x6f: {  	_ =	shalt  }
0x70: {  	_ =	shalt  }
0x71: {  	_ =	shalt  }
0x72: {  	_ =	shalt  }
0x73: {  	_ =	shalt  }
0x74: {  	_ =	shalt  }
0x75: {  	_ =	shalt  }
0x76: {  	_ =	shalt  }
0x77: {  	_ =	shalt  }
0x78: {  	_ =	shalt  }
0x79: {  	_ =	shalt  }
0x7a: {  	_ =	shalt  }
0x7b: {  	_ =	shalt  }
0x7c: {  	_ =	shalt  }
0x7d: {  	_ =	shalt  }
0x7e: {  	_ =	shalt  }
0x7f: {  	_ =	shalt  }
0x80: {  	_ =	shalt  }
0x81: {  	_ =	shalt  }
0x82: {  	_ =	shalt  }
0x83: {  	_ =	shalt  }
0x84: {  	_ =	shalt  }
0x85: {  	_ =	shalt  }
0x86: {  	_ =	shalt  }
0x87: {  	_ =	shalt  }
.Lfunc_end0:
.L_simem_size_0:
called_computation.1_lowered:
.L_overlay_start_0:
0x88: {  	s2 =	sld [smem:$0x3FD9]  }
0x89: {  	s3 =	sld [smem:$0x3FFE];
	_ =	sdelay $0x1  }
0x8a: {  	s1 =	srdreg.scid  }
0x8b: {  	s0 =	sand.u32 $0x1, s1  }
0x8c: {  	s17 =	sshll.u32 s0, $0xA;
	s2 =	sadd.s32 s3, s2  }
0x8d: {  	s2 =	sadd.s32 s2, s17  }
0x8e: {  	[smem:$0x3FC4] =	sst s2  }
0x8f: {  	_ = 	snop  }
0x90: {  	s2 =	sld [smem:$0x3FD0];
	(tm) =	ssettm $0x1  }
0x91: {  	s18 =	sld [smem:$0x3FFB];
	_ =	sdelay $0x3  }
0x92: {  	_ =	strace s18  }
0x93: {  	s3 =	sld [smem:$0x3FFC];
	_ =	sdelay $0x3  }
0x94: {  	_ =	strace s3  }
0x95: {  	s3 =	sld [smem:$0x3FFD];
	_ =	sdelay $0x3  }
0x96: {  	_ =	strace s3  }
0x97: {  	_ =	strace $0x8FFFFFFF  }
0x98: {  	s19 =	sld [smem:$0x3FDB];
	_ =	sdelay $0x1  }
0x99: {  	s4 =	simm.s32 $_scs_section_size  }
0x9a: {  	s5 =	simm.s32 $_size__tile_overlayer_lowered;
	s6 =	simm.s32 $_tile_overlayer_lowered  }
0x9b: {  	s22 =	simm.s32 $0x1BFF;
	s21 =	sshll.u32 s6, $0x1;
	s3 =	sadd.s32 s4, s19  }
0x9c: {  	s7 =	simm.s32 $0x0;
	s20 =	sshll.u32 s5, $0x1;
	s5 =	sadd.s32 s21, s3  }
0x9d: {  	[timem:s7], [sflag:s22] =	dma.local [hbm:s5], s20  }
0x9e: {  	_ =	swait.ge [sflag:s22], s20  }
0x9f: {  	s4 =	ssub.s32 $0x0, s20;
	[sflag:s22] =	ssyncset.done $0x0  }
0xa0: {  	[sflag:s22] =	ssyncadd.s32 s4;
	_ =	sdelay $0x1  }
0xa1: {  	s23 =	simm.s32 $0x1B8B  }
0xa2: {  	_ =	swait.ge [sflag:s23], $0x1  }
0xa3: {  	[sflag:s23] =	ssyncset.done $0x0  }
0xa4: {  	s25 =	simm.s32 $0x1B8E;
	s24 =	sld [smem:$0x3FFE];
	[sflag:s23] =	ssyncadd.s32 $0xFFFFFFFF  }
0xa5: {  	s26 =	simm.s32 $execute0_lowered;
	[smem:$0x3FD2] =	sst s25  }
0xa6: {  	s5 =	sshll.u32 s26, $0x1;
	_ =	strace $0x80000049;
	[dreg:$0x1] =	wrdreg $0xFFFFFFFF  }
0xa7: {  	s28 =	simm.s32 $_size_execute0_lowered;
	s3 =	sadd.s32 s3, s5;
	[dreg:$0x0] =	wrdreg $0x0  }
0xa8: {  	s5 =	sshll.u32 s28, $0x1;
	[dreg:$0x2] =	wrdreg s3  }
0xa9: {  	[dreg:$0x3] =	wrdreg s5  }
0xaa: {  	[dreg:$0x4] =	wrdreg $0xC0  }
0xab: {  	_ =	task [dreg:s7], $0x5FFFF  }
0xac: {  	[dreg:$0x1] =	wrdreg $0xFFFFFFFF  }
0xad: {  	[dreg:$0x0] =	wrdreg $0x60  }
0xae: {  	[dreg:$0x2] =	wrdreg s2  }
0xaf: {  	[dreg:$0x3] =	wrdreg s24  }
0xb0: {  	[dreg:$0x4] =	wrdreg $0xB0000  }
0xb1: {  	[dreg:$0x5] =	wrdreg $0x9  }
0xb2: {  	_ =	task.clear_ibuf [dreg:s7], $0x6FFFF;
	_ =	strace $0x90000049  }
0xb3: {  	s29 =	simm.s32 $0x9;
	_ =	strace $0x8000004B  }
0xb4: {  	_ =	swait.ge [sflag:s29], $0x1  }
0xb5: {  	[sflag:s29] =	ssyncadd.s32 $0xFFFFFFFF  }
0xb6: {  	_ =	strace $0x9000004B  }
0xb7: {  	_ =	sfence  }
0xb8: {  	s30 =	sld [smem:$0x0];
	_ =	sdelay $0x2  }
0xb9: {  	s31 =	sshll.u32 s1, $0xD;
	s1 =	sshrl.u32 s1, $0x2  }
0xba: {  	s3 =	sand.u32 $0x4000, s31;
	s1 =	sadd.s32 s1, s30  }
0xbb: {  	s0 =	sor.u32 s3, s0;
	s1 =	sshll.u32 s1, $0x11  }
0xbc: {  	s0 =	sor.u32 s1, s0  }
0xbd: {  	s0 =	sadd.s32 $0x8F2B, s0  }
0xbe: {  	[sflag:s0] =	ssyncadd.remote.s32 $0x1  }
0xbf: {  	_ =	sfence.sel $0xFFFF  }
0xc0: {  	[dreg:$0x0] =	wrdreg $0xFFFFFFFF;
	(pc) =	sbr.abs _section_cstart, $3  }
0xc1: {  	[dreg:$0x1] =	wrdreg $0xFFFFFFFF  }
0xc2: {  	_ =	task.clear_ibuf [dreg:s7], $0x2FFFF;
	_ =	strace $0x9FFFFFFF  }
0xc3: {  	(tm) =	ssettm $0x7FFFFFFF  }
tec
execute0_lowered:
.L_overlay_start_1:
0x0: {  	(tag) =	ssettag $0x1  }
0x1: {  	s1 =	rddreg [dreg:$0x0]  }
0x2: {  	s0 =	rddreg [dreg:$0x1]  }
0x3: {  	s2 =	rddreg [dreg:$0x2]  }
0x4: {  	s3 =	simm.s32 $0x0;
	s5 =	srdreg.scid;
	s11 =	stileid.u32  }
0x5: {  	s28 =	simm.s32 $0x2400;
	s29 =	simm.s32 $0x1;
	s30 =	simm.s32 $0x2  }
0x6: {  	s31 =	simm.s32 $0x1700;
	[smem:$0x7FF] =	sst s3;
	s4 =	sadd.s32 $0xCA00, s0  }
0x7: {  	s7 =	sadd.s32 $0x2A00, s0;
	s5 =	sand.u32 $0x1, s5;
	s6 =	smul.u32 $0x50000, s11  }
0x8: {  	s8 =	sadd.s32 $0x16A00, s0;
	s9 =	sshll.u32 s11, $0x1;
	_ =	strace $0x8000004A  }
0x9: {  	[dreg:$0x4] =	wrdreg s8;
	s19 =	ssub.s32 $0x2, s5;
	s9 =	sor.u32 s5, s9  }
0xa: {  	p0 =	seq.s32 s5, $0x1;
	s5 =	simm.s32 $0x3F200;
	s20 =	smul.u32 $0x2800, s9  }
0xb: {  	s10 =	sshrl.u32 s19, $0x1;
	s6 =	sshrl.u32 s6, $0x2;
	s9 =	smul.u32 $0x500, s9  }
0xc: {  	s5 =	simm.s32 @!p0 $0x17200;
	s8 =	ssub.s32 s19, s10;
	s6 =	sadd.s32 s6, s2  }
0xd: {  	s0 =	sadd.s32 s5, s0;
	s5 =	simm.s32 $0x4;
	s12 =	sadd.s32 $0x4000, s6  }
0xe: {  	s21 =	sadd.s32 $0x8000, s6;
	s22 =	sadd.s32 $0xC000, s6;
	[dreg:$0x5] =	wrdreg s12  }
0xf: {  	s23 =	sadd.s32 $0x10000, s6;
	s10 =	sshrl.u32 s20, $0x3;
	[dreg:$0x6] =	wrdreg s21  }
0x10: {  	s24 =	sadd.s32 s4, s9;
	s20 =	smul.u32 $0x2800, s11;
	[dreg:$0x7] =	wrdreg s22  }
0x11: {  	s19 =	smax.u32 s8, $0x1;
	s8 =	simm.s32 $0x0;
	[dreg:$0x8] =	wrdreg s23  }
0x12: {  	[dreg:$0x9] =	wrdreg s24;
	s12 =	sadd.s32 s7, s9;
	s25 =	sadd.s32 $0x180, s10  }
0x13: {  	s26 =	sadd.s32 $0x300, s10;
	s10 =	sadd.s32 $0x480, s10;
	s21 =	simm.s32 $0x3000  }
0x14: {  	s22 =	simm.s32 $0x5;
	s23 =	simm.s32 $0xC00;
	s24 =	simm.s32 $0x80  }
0x15: {  	s13 =	sadd.s32 s4, s25;
	s14 =	sadd.s32 s7, s25;
	s15 =	sadd.s32 s4, s26  }
0x16: {  	s16 =	sadd.s32 s7, s26;
	s17 =	sadd.s32 s4, s10;
	s18 =	sadd.s32 s7, s10  }
0x17: {  	s20 =	sadd.s32 s0, s20;
	s25 =	simm.s32 $0x7000;
	s26 =	simm.s32 $0x1800  }
0x18: {  	s0 =	simm.s32 $0x3;
	s4 =	simm.s32 $0x1780;
	s7 =	simm.s32 $0x1880  }
.LBB2_1:
0x19: {  	s9 =	rddreg [dreg:$0x4]  }
0x1a: {  	[tilespmem:s21], [sflag:$0x5] =	stream.linear.gather [hbm4b:s9+s3], $0x4000, $0x38;
	[tilespmem:$0x1F000] =	vst v63  }
0x1b: {  	_ =	swait.ge [sflag:s22], $0x4000  }
0x1c: {  	[sflag:s22] =	ssyncset.done $0x0  }
0x1d: {  	[sflag:s22] =	ssyncadd.s32 $0xFFFFC000  }
0x1e: {  	[spmem:s6] =	stream.linear.scatter [tilespmem:s21], [sflag:$0x5], $0x4000, $0x38;
	[tilespmem:$0x1F000] =	vst v63  }
0x1f: {  	_ =	swait.ge [sflag:s22], $0x4000  }
0x20: {  	[sflag:s22] =	ssyncset.done $0x0  }
0x21: {  	s10 =	rddreg [dreg:$0x5];
	[sflag:s22] =	ssyncadd.s32 $0xFFFFC000  }
0x22: {  	[spmem:s10] =	stream.linear.scatter [tilespmem:s21], [sflag:$0x5], $0x4000, $0x38;
	[tilespmem:$0x1F000] =	vst v63  }
0x23: {  	_ =	swait.ge [sflag:s22], $0x4000  }
0x24: {  	[sflag:s22] =	ssyncset.done $0x0  }
0x25: {  	s11 =	rddreg [dreg:$0x6];
	[sflag:s22] =	ssyncadd.s32 $0xFFFFC000  }
0x26: {  	[spmem:s11] =	stream.linear.scatter [tilespmem:s21], [sflag:$0x5], $0x4000, $0x38;
	[tilespmem:$0x1F000] =	vst v63  }
0x27: {  	_ =	swait.ge [sflag:s22], $0x4000  }
0x28: {  	[sflag:s22] =	ssyncset.done $0x0  }
0x29: {  	s10 =	rddreg [dreg:$0x7];
	[sflag:s22] =	ssyncadd.s32 $0xFFFFC000  }
0x2a: {  	[spmem:s10] =	stream.linear.scatter [tilespmem:s21], [sflag:$0x5], $0x4000, $0x38;
	[tilespmem:$0x1F000] =	vst v63  }
0x2b: {  	_ =	swait.ge [sflag:s22], $0x4000  }
0x2c: {  	[sflag:s22] =	ssyncset.done $0x0  }
0x2d: {  	s11 =	rddreg [dreg:$0x8];
	[sflag:s22] =	ssyncadd.s32 $0xFFFFC000  }
0x2e: {  	[spmem:s11] =	stream.linear.scatter [tilespmem:s21], [sflag:$0x5], $0x4000, $0x38;
	[tilespmem:$0x1F000] =	vst v63  }
0x2f: {  	_ =	swait.ge [sflag:s22], $0x4000  }
0x30: {  	[sflag:s22] =	ssyncset.done $0x0  }
0x31: {  	s10 =	rddreg [dreg:$0x9];
	[sflag:s22] =	ssyncadd.s32 $0xFFFFC000  }
0x32: {  	[tilespmem:s3], [sflag:$0x5] =	stream.linear.gather [hbm4b:s10+s3], $0xC00, $0x38;
	[tilespmem:$0x1F000] =	vst v63  }
0x33: {  	_ =	swait.ge [sflag:s22], $0xC00  }
0x34: {  	[sflag:s22] =	ssyncset.done $0x0  }
0x35: {  	[sflag:s22] =	ssyncadd.s32 $0xFFFFF400  }
0x36: {  	[tilespmem:s23], [sflag:$0x5] =	stream.linear.gather [hbm4b:s12+s3], $0xC00, $0x38;
	[tilespmem:$0x1F000] =	vst v63  }
0x37: {  	_ =	swait.ge [sflag:s22], $0xC00  }
0x38: {  	[sflag:s22] =	ssyncset.done $0x0  }
0x39: {  	[sflag:s22] =	ssyncadd.s32 $0xFFFFF400  }
0x3a: {  	[bflag:$0x0] =	sbarrier.arrive $0xFFFF  }
0x3b: {  	[tilespmem:s21], [sflag:$0x1] =	stream.indirect.gather [hbm4b:s1+s24], $0x80, s3, s24, $0xb8;
	[tilespmem:$0x1F000] =	vst v63  }
0x3c: {  	_ = 	snop  }
0x3d: {  	[tilespmem:s25], [sflag:$0x2] =	stream.indirect.gather [hbm4b:s1+s24], $0x80, s24, s24, $0xb8;
	[tilespmem:$0x1F000] =	vst v63  }
0x3e: {  	_ = 	snop  }
0x3f: {  	[tilespmem:s26], [sflag:$0x3] =	stream.linear.gather [hbm4b:s13+s3], $0xC00, $0x38;
	[tilespmem:$0x1F000] =	vst v63  }
0x40: {  	_ = 	snop  }
0x41: {  	[tilespmem:s28], [sflag:$0x4] =	stream.linear.gather [hbm4b:s14+s3], $0xC00, $0x38;
	[tilespmem:$0x1F000] =	vst v63  }
0x42: {  	_ =	swait.ge [sflag:s29], $0x4000  }
0x43: {  	[sflag:s29] =	ssyncset.done $0x0  }
0x44: {  	s11 =	simm.s32 $0xC00;
	[sflag:s29] =	ssyncadd.s32 $0xFFFFC000  }
0x45: {  	[spmem:s2] =	stream.indirect.scatter.add.f32 [tilespmem:s21], [sflag:$0x5], $0x80, s11, s24, $0xb8;
	[tilespmem:$0x1F000] =	vst v63  }
0x46: {  	_ =	swait.ge [sflag:s22], $0x4000  }
0x47: {  	[sflag:s22] =	ssyncset.done $0x0  }
0x48: {  	s10 =	simm.s32 $0x100;
	[sflag:s22] =	ssyncadd.s32 $0xFFFFC000  }
0x49: {  	[tilespmem:s21], [sflag:$0x1] =	stream.indirect.gather [hbm4b:s1+s24], $0x80, s10, s24, $0xb8;
	[tilespmem:$0x1F000] =	vst v63  }
0x4a: {  	_ =	swait.ge [sflag:s30], $0x4000  }
0x4b: {  	[sflag:s30] =	ssyncset.done $0x0  }
0x4c: {  	s11 =	simm.s32 $0xC80;
	[sflag:s30] =	ssyncadd.s32 $0xFFFFC000  }
0x4d: {  	[spmem:s2] =	stream.indirect.scatter.add.f32 [tilespmem:s25], [sflag:$0x5], $0x80, s11, s24, $0xb8;
	[tilespmem:$0x1F000] =	vst v63  }
0x4e: {  	_ =	swait.ge [sflag:s22], $0x4000  }
0x4f: {  	[sflag:s22] =	ssyncset.done $0x0  }
0x50: {  	s9 =	simm.s32 $0x400;
	s10 =	simm.s32 $0x180;
	[sflag:s22] =	ssyncadd.s32 $0xFFFFC000  }
.LBB2_2:
0x51: {  	[tilespmem:s25], [sflag:$0x2] =	stream.indirect.gather [hbm4b:s1+s24], $0x80, s10, s24, $0xb8;
	[tilespmem:$0x1F000] =	vst v63  }
0x52: {  	s10 =	smov.u32 s9  }
0x53: {  	p0 =	sne.s32 s9, $0x2800;
	s9 =	sadd.s32 $0x400, s9;
	_ =	swait.ge [sflag:s29], $0x4000  }
0x54: {  	s10 =	sshra.s32 s10, $0x2;
	[sflag:s29] =	ssyncset.done $0x0  }
0x55: {  	s11 =	sadd.s32 $0xC00, s10;
	[sflag:s29] =	ssyncadd.s32 $0xFFFFC000  }
0x56: {  	[spmem:s2] =	stream.indirect.scatter.add.f32 [tilespmem:s21], [sflag:$0x5], $0x80, s11, s24, $0xb8;
	[tilespmem:$0x1F000] =	vst v63  }
0x57: {  	_ =	swait.ge [sflag:s22], $0x4000  }
0x58: {  	[sflag:s22] =	ssyncset.done $0x0  }
0x59: {  	s11 =	sadd.s32 $0x100, s10;
	[sflag:s22] =	ssyncadd.s32 $0xFFFFC000  }
0x5a: {  	[tilespmem:s21], [sflag:$0x1] =	stream.indirect.gather [hbm4b:s1+s24], $0x80, s11, s24, $0xb8;
	[tilespmem:$0x1F000] =	vst v63  }
0x5b: {  	_ =	swait.ge [sflag:s30], $0x4000  }
0x5c: {  	[sflag:s30] =	ssyncset.done $0x0  }
.Ltmp0:
0x5d: {  	s11 =	sadd.s32 $0xC80, s10;
	[sflag:s30] =	ssyncadd.s32 $0xFFFFC000;
	(pc) =	sbr.rel @p0 .LBB2_2-.Ltmp0, $4  }
0x5e: {  	[spmem:s2] =	stream.indirect.scatter.add.f32 [tilespmem:s25], [sflag:$0x5], $0x80, s11, s24, $0xb8;
	[tilespmem:$0x1F000] =	vst v63  }
0x5f: {  	_ =	swait.ge [sflag:s22], $0x4000  }
0x60: {  	[sflag:s22] =	ssyncset.done $0x0  }
0x61: {  	s10 =	sadd.s32 $0x180, s10;
	[sflag:s22] =	ssyncadd.s32 $0xFFFFC000  }
0x62: {  	[tilespmem:s25], [sflag:$0x2] =	stream.indirect.gather [hbm4b:s1+s24], $0x80, s10, s24, $0xb8;
	[tilespmem:$0x1F000] =	vst v63  }
0x63: {  	_ =	swait.ge [sflag:s29], $0x4000  }
0x64: {  	[sflag:s29] =	ssyncset.done $0x0  }
0x65: {  	[sflag:s29] =	ssyncadd.s32 $0xFFFFC000  }
0x66: {  	[spmem:s2] =	stream.indirect.scatter.add.f32 [tilespmem:s21], [sflag:$0x5], $0x80, s31, s24, $0xb8;
	[tilespmem:$0x1F000] =	vst v63  }
0x67: {  	_ =	swait.ge [sflag:s22], $0x4000  }
0x68: {  	[sflag:s22] =	ssyncset.done $0x0  }
0x69: {  	[sflag:s22] =	ssyncadd.s32 $0xFFFFC000  }
0x6a: {  	_ =	swait.ge [sflag:s0], $0xC00  }
0x6b: {  	[sflag:s0] =	ssyncset.done $0x0  }
0x6c: {  	[sflag:s0] =	ssyncadd.s32 $0xFFFFF400  }
0x6d: {  	[tilespmem:s21], [sflag:$0x1] =	stream.indirect.gather [hbm4b:s1+s24], $0x80, s26, s24, $0xb8;
	[tilespmem:$0x1F000] =	vst v63  }
0x6e: {  	_ =	swait.ge [sflag:s30], $0x4000  }
0x6f: {  	[sflag:s30] =	ssyncset.done $0x0  }
0x70: {  	[sflag:s30] =	ssyncadd.s32 $0xFFFFC000  }
0x71: {  	[spmem:s2] =	stream.indirect.scatter.add.f32 [tilespmem:s25], [sflag:$0x5], $0x80, s4, s24, $0xb8;
	[tilespmem:$0x1F000] =	vst v63  }
0x72: {  	_ =	swait.ge [sflag:s22], $0x4000  }
0x73: {  	[sflag:s22] =	ssyncset.done $0x0  }
0x74: {  	[sflag:s22] =	ssyncadd.s32 $0xFFFFC000  }
0x75: {  	_ =	swait.ge [sflag:s5], $0xC00  }
0x76: {  	[sflag:s5] =	ssyncset.done $0x0  }
0x77: {  	[sflag:s5] =	ssyncadd.s32 $0xFFFFF400  }
0x78: {  	[tilespmem:s25], [sflag:$0x2] =	stream.indirect.gather [hbm4b:s1+s24], $0x80, s7, s24, $0xb8;
	[tilespmem:$0x1F000] =	vst v63  }
0x79: {  	s9 =	simm.s32 $0x0  }
0x7a: {  	[tilespmem:s9], [sflag:$0x3] =	stream.linear.gather [hbm4b:s15+s9], $0xC00, $0x38;
	[tilespmem:$0x1F000] =	vst v63  }
0x7b: {  	_ = 	snop  }
0x7c: {  	[tilespmem:s23], [sflag:$0x4] =	stream.linear.gather [hbm4b:s16+s9], $0xC00, $0x38;
	[tilespmem:$0x1F000] =	vst v63  }
0x7d: {  	_ =	swait.ge [sflag:s29], $0x4000  }
0x7e: {  	[sflag:s29] =	ssyncset.done $0x0  }
0x7f: {  	s11 =	simm.s32 $0x2400;
	[sflag:s29] =	ssyncadd.s32 $0xFFFFC000  }
0x80: {  	[spmem:s2] =	stream.indirect.scatter.add.f32 [tilespmem:s21], [sflag:$0x5], $0x80, s11, s24, $0xb8;
	[tilespmem:$0x1F000] =	vst v63  }
0x81: {  	_ =	swait.ge [sflag:s22], $0x4000  }
0x82: {  	[sflag:s22] =	ssyncset.done $0x0  }
0x83: {  	s10 =	simm.s32 $0x1900;
	[sflag:s22] =	ssyncadd.s32 $0xFFFFC000  }
0x84: {  	[tilespmem:s21], [sflag:$0x1] =	stream.indirect.gather [hbm4b:s1+s24], $0x80, s10, s24, $0xb8;
	[tilespmem:$0x1F000] =	vst v63  }
0x85: {  	_ =	swait.ge [sflag:s30], $0x4000  }
0x86: {  	[sflag:s30] =	ssyncset.done $0x0  }
0x87: {  	s11 =	simm.s32 $0x2480;
	[sflag:s30] =	ssyncadd.s32 $0xFFFFC000  }
0x88: {  	[spmem:s2] =	stream.indirect.scatter.add.f32 [tilespmem:s25], [sflag:$0x5], $0x80, s11, s24, $0xb8;
	[tilespmem:$0x1F000] =	vst v63  }
0x89: {  	_ =	swait.ge [sflag:s22], $0x4000  }
0x8a: {  	[sflag:s22] =	ssyncset.done $0x0  }
0x8b: {  	s9 =	simm.s32 $0x400;
	s10 =	simm.s32 $0x1980;
	[sflag:s22] =	ssyncadd.s32 $0xFFFFC000  }
.LBB2_4:
0x8c: {  	[tilespmem:s25], [sflag:$0x2] =	stream.indirect.gather [hbm4b:s1+s24], $0x80, s10, s24, $0xb8;
	[tilespmem:$0x1F000] =	vst v63  }
0x8d: {  	s10 =	smov.u32 s9  }
0x8e: {  	p0 =	sne.s32 s9, $0x2800;
	s9 =	sadd.s32 $0x400, s9;
	_ =	swait.ge [sflag:s29], $0x4000  }
0x8f: {  	s10 =	sshra.s32 s10, $0x2;
	[sflag:s29] =	ssyncset.done $0x0  }
0x90: {  	s11 =	sadd.s32 $0x2400, s10;
	[sflag:s29] =	ssyncadd.s32 $0xFFFFC000  }
0x91: {  	[spmem:s2] =	stream.indirect.scatter.add.f32 [tilespmem:s21], [sflag:$0x5], $0x80, s11, s24, $0xb8;
	[tilespmem:$0x1F000] =	vst v63  }
0x92: {  	_ =	swait.ge [sflag:s22], $0x4000  }
0x93: {  	[sflag:s22] =	ssyncset.done $0x0  }
0x94: {  	s11 =	sadd.s32 $0x1900, s10;
	[sflag:s22] =	ssyncadd.s32 $0xFFFFC000  }
0x95: {  	[tilespmem:s21], [sflag:$0x1] =	stream.indirect.gather [hbm4b:s1+s24], $0x80, s11, s24, $0xb8;
	[tilespmem:$0x1F000] =	vst v63  }
0x96: {  	_ =	swait.ge [sflag:s30], $0x4000  }
0x97: {  	[sflag:s30] =	ssyncset.done $0x0  }
.Ltmp1:
0x98: {  	s11 =	sadd.s32 $0x2480, s10;
	[sflag:s30] =	ssyncadd.s32 $0xFFFFC000;
	(pc) =	sbr.rel @p0 .LBB2_4-.Ltmp1, $4  }
0x99: {  	[spmem:s2] =	stream.indirect.scatter.add.f32 [tilespmem:s25], [sflag:$0x5], $0x80, s11, s24, $0xb8;
	[tilespmem:$0x1F000] =	vst v63  }
0x9a: {  	_ =	swait.ge [sflag:s22], $0x4000  }
0x9b: {  	[sflag:s22] =	ssyncset.done $0x0  }
0x9c: {  	s10 =	sadd.s32 $0x1980, s10;
	[sflag:s22] =	ssyncadd.s32 $0xFFFFC000  }
0x9d: {  	[tilespmem:s25], [sflag:$0x2] =	stream.indirect.gather [hbm4b:s1+s24], $0x80, s10, s24, $0xb8;
	[tilespmem:$0x1F000] =	vst v63  }
0x9e: {  	_ =	swait.ge [sflag:s29], $0x4000  }
0x9f: {  	[sflag:s29] =	ssyncset.done $0x0  }
0xa0: {  	s9 =	simm.s32 $0x2F00;
	[sflag:s29] =	ssyncadd.s32 $0xFFFFC000  }
0xa1: {  	[spmem:s2] =	stream.indirect.scatter.add.f32 [tilespmem:s21], [sflag:$0x5], $0x80, s9, s24, $0xb8;
	[tilespmem:$0x1F000] =	vst v63  }
0xa2: {  	_ =	swait.ge [sflag:s22], $0x4000  }
0xa3: {  	[sflag:s22] =	ssyncset.done $0x0  }
0xa4: {  	[sflag:s22] =	ssyncadd.s32 $0xFFFFC000  }
0xa5: {  	_ =	swait.ge [sflag:s0], $0xC00  }
0xa6: {  	[sflag:s0] =	ssyncset.done $0x0  }
0xa7: {  	s9 =	simm.s32 $0x0;
	[sflag:s0] =	ssyncadd.s32 $0xFFFFF400  }
0xa8: {  	[tilespmem:s21], [sflag:$0x1] =	stream.indirect.gather [hbm4b:s1+s24], $0x80, s9, s24, $0xb8;
	[tilespmem:$0x1F000] =	vst v63  }
0xa9: {  	_ =	swait.ge [sflag:s30], $0x4000  }
0xaa: {  	[sflag:s30] =	ssyncset.done $0x0  }
0xab: {  	s11 =	simm.s32 $0x2F80;
	[sflag:s30] =	ssyncadd.s32 $0xFFFFC000  }
0xac: {  	[spmem:s2] =	stream.indirect.scatter.add.f32 [tilespmem:s25], [sflag:$0x5], $0x80, s11, s24, $0xb8;
	[tilespmem:$0x1F000] =	vst v63  }
0xad: {  	_ =	swait.ge [sflag:s22], $0x4000  }
0xae: {  	[sflag:s22] =	ssyncset.done $0x0  }
0xaf: {  	[sflag:s22] =	ssyncadd.s32 $0xFFFFC000  }
0xb0: {  	_ =	swait.ge [sflag:s5], $0xC00  }
0xb1: {  	[sflag:s5] =	ssyncset.done $0x0  }
0xb2: {  	[sflag:s5] =	ssyncadd.s32 $0xFFFFF400  }
0xb3: {  	[tilespmem:s25], [sflag:$0x2] =	stream.indirect.gather [hbm4b:s1+s24], $0x80, s24, s24, $0xb8;
	[tilespmem:$0x1F000] =	vst v63  }
0xb4: {  	_ = 	snop  }
0xb5: {  	[tilespmem:s26], [sflag:$0x3] =	stream.linear.gather [hbm4b:s17+s9], $0x400, $0x38;
	[tilespmem:$0x1F000] =	vst v63  }
0xb6: {  	_ = 	snop  }
0xb7: {  	[tilespmem:s28], [sflag:$0x4] =	stream.linear.gather [hbm4b:s18+s9], $0x400, $0x38;
	[tilespmem:$0x1F000] =	vst v63  }
0xb8: {  	_ =	swait.ge [sflag:s29], $0x4000  }
0xb9: {  	[sflag:s29] =	ssyncset.done $0x0  }
0xba: {  	s11 =	simm.s32 $0xC00;
	[sflag:s29] =	ssyncadd.s32 $0xFFFFC000  }
0xbb: {  	[spmem:s2] =	stream.indirect.scatter.add.f32 [tilespmem:s21], [sflag:$0x5], $0x80, s11, s24, $0xb8;
	[tilespmem:$0x1F000] =	vst v63  }
0xbc: {  	_ =	swait.ge [sflag:s22], $0x4000  }
0xbd: {  	[sflag:s22] =	ssyncset.done $0x0  }
0xbe: {  	s10 =	simm.s32 $0x100;
	[sflag:s22] =	ssyncadd.s32 $0xFFFFC000  }
0xbf: {  	[tilespmem:s21], [sflag:$0x1] =	stream.indirect.gather [hbm4b:s1+s24], $0x80, s10, s24, $0xb8;
	[tilespmem:$0x1F000] =	vst v63  }
0xc0: {  	_ =	swait.ge [sflag:s30], $0x4000  }
0xc1: {  	[sflag:s30] =	ssyncset.done $0x0  }
0xc2: {  	s11 =	simm.s32 $0xC80;
	[sflag:s30] =	ssyncadd.s32 $0xFFFFC000  }
0xc3: {  	[spmem:s2] =	stream.indirect.scatter.add.f32 [tilespmem:s25], [sflag:$0x5], $0x80, s11, s24, $0xb8;
	[tilespmem:$0x1F000] =	vst v63  }
0xc4: {  	_ =	swait.ge [sflag:s22], $0x4000  }
0xc5: {  	[sflag:s22] =	ssyncset.done $0x0  }
0xc6: {  	s9 =	simm.s32 $0x400;
	s10 =	simm.s32 $0x180;
	[sflag:s22] =	ssyncadd.s32 $0xFFFFC000  }
.LBB2_6:
0xc7: {  	[tilespmem:s25], [sflag:$0x2] =	stream.indirect.gather [hbm4b:s1+s24], $0x80, s10, s24, $0xb8;
	[tilespmem:$0x1F000] =	vst v63  }
0xc8: {  	s10 =	smov.u32 s9  }
0xc9: {  	p0 =	sne.s32 s9, $0x2800;
	s9 =	sadd.s32 $0x400, s9;
	_ =	swait.ge [sflag:s29], $0x4000  }
0xca: {  	s10 =	sshra.s32 s10, $0x2;
	[sflag:s29] =	ssyncset.done $0x0  }
0xcb: {  	s11 =	sadd.s32 $0xC00, s10;
	[sflag:s29] =	ssyncadd.s32 $0xFFFFC000  }
0xcc: {  	[spmem:s2] =	stream.indirect.scatter.add.f32 [tilespmem:s21], [sflag:$0x5], $0x80, s11, s24, $0xb8;
	[tilespmem:$0x1F000] =	vst v63  }
0xcd: {  	_ =	swait.ge [sflag:s22], $0x4000  }
0xce: {  	[sflag:s22] =	ssyncset.done $0x0  }
0xcf: {  	s11 =	sadd.s32 $0x100, s10;
	[sflag:s22] =	ssyncadd.s32 $0xFFFFC000  }
0xd0: {  	[tilespmem:s21], [sflag:$0x1] =	stream.indirect.gather [hbm4b:s1+s24], $0x80, s11, s24, $0xb8;
	[tilespmem:$0x1F000] =	vst v63  }
0xd1: {  	_ =	swait.ge [sflag:s30], $0x4000  }
0xd2: {  	[sflag:s30] =	ssyncset.done $0x0  }
.Ltmp2:
0xd3: {  	s11 =	sadd.s32 $0xC80, s10;
	[sflag:s30] =	ssyncadd.s32 $0xFFFFC000;
	(pc) =	sbr.rel @p0 .LBB2_6-.Ltmp2, $4  }
0xd4: {  	[spmem:s2] =	stream.indirect.scatter.add.f32 [tilespmem:s25], [sflag:$0x5], $0x80, s11, s24, $0xb8;
	[tilespmem:$0x1F000] =	vst v63  }
0xd5: {  	_ =	swait.ge [sflag:s22], $0x4000  }
0xd6: {  	[sflag:s22] =	ssyncset.done $0x0  }
0xd7: {  	s10 =	sadd.s32 $0x180, s10;
	[sflag:s22] =	ssyncadd.s32 $0xFFFFC000  }
0xd8: {  	[tilespmem:s25], [sflag:$0x2] =	stream.indirect.gather [hbm4b:s1+s24], $0x80, s10, s24, $0xb8;
	[tilespmem:$0x1F000] =	vst v63  }
0xd9: {  	_ =	swait.ge [sflag:s29], $0x4000  }
0xda: {  	[sflag:s29] =	ssyncset.done $0x0  }
0xdb: {  	[sflag:s29] =	ssyncadd.s32 $0xFFFFC000  }
0xdc: {  	[spmem:s2] =	stream.indirect.scatter.add.f32 [tilespmem:s21], [sflag:$0x5], $0x80, s31, s24, $0xb8;
	[tilespmem:$0x1F000] =	vst v63  }
0xdd: {  	_ =	swait.ge [sflag:s22], $0x4000  }
0xde: {  	[sflag:s22] =	ssyncset.done $0x0  }
0xdf: {  	[sflag:s22] =	ssyncadd.s32 $0xFFFFC000  }
0xe0: {  	_ =	swait.ge [sflag:s0], $0x400  }
0xe1: {  	[sflag:s0] =	ssyncset.done $0x0  }
0xe2: {  	[sflag:s0] =	ssyncadd.s32 $0xFFFFFC00  }
0xe3: {  	[tilespmem:s21], [sflag:$0x1] =	stream.indirect.gather [hbm4b:s1+s24], $0x80, s26, s24, $0xb8;
	[tilespmem:$0x1F000] =	vst v63  }
0xe4: {  	_ =	swait.ge [sflag:s30], $0x4000  }
0xe5: {  	[sflag:s30] =	ssyncset.done $0x0  }
0xe6: {  	[sflag:s30] =	ssyncadd.s32 $0xFFFFC000  }
0xe7: {  	[spmem:s2] =	stream.indirect.scatter.add.f32 [tilespmem:s25], [sflag:$0x5], $0x80, s4, s24, $0xb8;
	[tilespmem:$0x1F000] =	vst v63  }
0xe8: {  	_ =	swait.ge [sflag:s22], $0x4000  }
0xe9: {  	[sflag:s22] =	ssyncset.done $0x0  }
0xea: {  	[sflag:s22] =	ssyncadd.s32 $0xFFFFC000  }
0xeb: {  	_ =	swait.ge [sflag:s5], $0x400  }
0xec: {  	[sflag:s5] =	ssyncset.done $0x0  }
0xed: {  	[sflag:s5] =	ssyncadd.s32 $0xFFFFFC00  }
0xee: {  	[tilespmem:s25], [sflag:$0x2] =	stream.indirect.gather [hbm4b:s1+s24], $0x80, s7, s24, $0xb8;
	[tilespmem:$0x1F000] =	vst v63  }
0xef: {  	_ =	swait.ge [sflag:s29], $0x4000  }
0xf0: {  	[sflag:s29] =	ssyncset.done $0x0  }
0xf1: {  	[sflag:s29] =	ssyncadd.s32 $0xFFFFC000  }
0xf2: {  	[spmem:s2] =	stream.indirect.scatter.add.f32 [tilespmem:s21], [sflag:$0x5], $0x80, s28, s24, $0xb8;
	[tilespmem:$0x1F000] =	vst v63  }
0xf3: {  	_ =	swait.ge [sflag:s22], $0x4000  }
0xf4: {  	[sflag:s22] =	ssyncset.done $0x0  }
0xf5: {  	s9 =	simm.s32 $0x1900;
	[sflag:s22] =	ssyncadd.s32 $0xFFFFC000  }
0xf6: {  	[tilespmem:s21], [sflag:$0x1] =	stream.indirect.gather [hbm4b:s1+s24], $0x80, s9, s24, $0xb8;
	[tilespmem:$0x1F000] =	vst v63  }
0xf7: {  	_ =	swait.ge [sflag:s30], $0x4000  }
0xf8: {  	[sflag:s30] =	ssyncset.done $0x0  }
0xf9: {  	s10 =	simm.s32 $0x2480;
	[sflag:s30] =	ssyncadd.s32 $0xFFFFC000  }
0xfa: {  	[spmem:s2] =	stream.indirect.scatter.add.f32 [tilespmem:s25], [sflag:$0x5], $0x80, s10, s24, $0xb8;
	[tilespmem:$0x1F000] =	vst v63  }
0xfb: {  	_ =	swait.ge [sflag:s22], $0x4000  }
0xfc: {  	[sflag:s22] =	ssyncset.done $0x0  }
0xfd: {  	s11 =	simm.s32 $0x1980;
	[sflag:s22] =	ssyncadd.s32 $0xFFFFC000  }
0xfe: {  	[tilespmem:s25], [sflag:$0x2] =	stream.indirect.gather [hbm4b:s1+s24], $0x80, s11, s24, $0xb8;
	[tilespmem:$0x1F000] =	vst v63  }
0xff: {  	_ =	swait.ge [sflag:s29], $0x4000  }
0x100: {  	[sflag:s29] =	ssyncset.done $0x0  }
0x101: {  	s10 =	simm.s32 $0x2500;
	[sflag:s29] =	ssyncadd.s32 $0xFFFFC000  }
0x102: {  	[spmem:s2] =	stream.indirect.scatter.add.f32 [tilespmem:s21], [sflag:$0x5], $0x80, s10, s24, $0xb8;
	[tilespmem:$0x1F000] =	vst v63  }
0x103: {  	_ =	swait.ge [sflag:s22], $0x4000  }
0x104: {  	[sflag:s22] =	ssyncset.done $0x0  }
0x105: {  	s11 =	simm.s32 $0x1A00;
	[sflag:s22] =	ssyncadd.s32 $0xFFFFC000  }
0x106: {  	[tilespmem:s21], [sflag:$0x1] =	stream.indirect.gather [hbm4b:s1+s24], $0x80, s11, s24, $0xb8;
	[tilespmem:$0x1F000] =	vst v63  }
0x107: {  	_ =	swait.ge [sflag:s30], $0x4000  }
0x108: {  	[sflag:s30] =	ssyncset.done $0x0  }
0x109: {  	s10 =	simm.s32 $0x2580;
	[sflag:s30] =	ssyncadd.s32 $0xFFFFC000  }
0x10a: {  	[spmem:s2] =	stream.indirect.scatter.add.f32 [tilespmem:s25], [sflag:$0x5], $0x80, s10, s24, $0xb8;
	[tilespmem:$0x1F000] =	vst v63  }
0x10b: {  	_ =	swait.ge [sflag:s22], $0x4000  }
0x10c: {  	[sflag:s22] =	ssyncset.done $0x0  }
0x10d: {  	s11 =	simm.s32 $0x1A80;
	[sflag:s22] =	ssyncadd.s32 $0xFFFFC000  }
0x10e: {  	[tilespmem:s25], [sflag:$0x2] =	stream.indirect.gather [hbm4b:s1+s24], $0x80, s11, s24, $0xb8;
	[tilespmem:$0x1F000] =	vst v63  }
0x10f: {  	_ =	swait.ge [sflag:s29], $0x4000  }
0x110: {  	[sflag:s29] =	ssyncset.done $0x0  }
0x111: {  	s10 =	simm.s32 $0x2600;
	[sflag:s29] =	ssyncadd.s32 $0xFFFFC000  }
0x112: {  	[spmem:s2] =	stream.indirect.scatter.add.f32 [tilespmem:s21], [sflag:$0x5], $0x80, s10, s24, $0xb8;
	[tilespmem:$0x1F000] =	vst v63  }
0x113: {  	_ =	swait.ge [sflag:s22], $0x4000  }
0x114: {  	[sflag:s22] =	ssyncset.done $0x0  }
0x115: {  	s11 =	simm.s32 $0x1B00;
	[sflag:s22] =	ssyncadd.s32 $0xFFFFC000  }
0x116: {  	[tilespmem:s21], [sflag:$0x1] =	stream.indirect.gather [hbm4b:s1+s24], $0x80, s11, s24, $0xb8;
	[tilespmem:$0x1F000] =	vst v63  }
0x117: {  	_ =	swait.ge [sflag:s30], $0x4000  }
0x118: {  	[sflag:s30] =	ssyncset.done $0x0  }
0x119: {  	s10 =	simm.s32 $0x2680;
	[sflag:s30] =	ssyncadd.s32 $0xFFFFC000  }
0x11a: {  	[spmem:s2] =	stream.indirect.scatter.add.f32 [tilespmem:s25], [sflag:$0x5], $0x80, s10, s24, $0xb8;
	[tilespmem:$0x1F000] =	vst v63  }
0x11b: {  	_ =	swait.ge [sflag:s22], $0x4000  }
0x11c: {  	[sflag:s22] =	ssyncset.done $0x0  }
0x11d: {  	s11 =	simm.s32 $0x1B80;
	[sflag:s22] =	ssyncadd.s32 $0xFFFFC000  }
0x11e: {  	[tilespmem:s25], [sflag:$0x2] =	stream.indirect.gather [hbm4b:s1+s24], $0x80, s11, s24, $0xb8;
	[tilespmem:$0x1F000] =	vst v63  }
0x11f: {  	_ =	swait.ge [sflag:s29], $0x4000  }
0x120: {  	[sflag:s29] =	ssyncset.done $0x0  }
0x121: {  	s10 =	simm.s32 $0x2700;
	[sflag:s29] =	ssyncadd.s32 $0xFFFFC000  }
0x122: {  	[spmem:s2] =	stream.indirect.scatter.add.f32 [tilespmem:s21], [sflag:$0x5], $0x80, s10, s24, $0xb8;
	[tilespmem:$0x1F000] =	vst v63  }
0x123: {  	_ =	swait.ge [sflag:s22], $0x4000  }
0x124: {  	[sflag:s22] =	ssyncset.done $0x0  }
0x125: {  	[sflag:s22] =	ssyncadd.s32 $0xFFFFC000  }
0x126: {  	_ =	swait.ge [sflag:s30], $0x4000  }
0x127: {  	[sflag:s30] =	ssyncset.done $0x0  }
0x128: {  	s11 =	simm.s32 $0x2780;
	[sflag:s30] =	ssyncadd.s32 $0xFFFFC000  }
0x129: {  	[spmem:s2] =	stream.indirect.scatter.add.f32 [tilespmem:s25], [sflag:$0x5], $0x80, s11, s24, $0xb8;
	[tilespmem:$0x1F000] =	vst v63  }
0x12a: {  	s10 =	stileid.u32;
	_ =	swait.ge [sflag:s22], $0x4000  }
0x12b: {  	s8 =	sadd.s32 $0x1, s8;
	s9 =	sshll.u32 s10, $0x6;
	[sflag:s22] =	ssyncset.done $0x0  }
0x12c: {  	p0 =	sne.s32 s8, s19;
	s9 =	sor.u32 $0x1C05, s9;
	[sflag:s22] =	ssyncadd.s32 $0xFFFFC000  }
.Ltmp3:
0x12d: {  	s11 =	sshrl.u32 s6, $0x3;
	[bflag:$0x0] =	sbarrier.arrive $0xFFFF;
	(pc) =	sbr.rel @p0 .LBB2_1-.Ltmp3, $4  }
0x12e: {  	[hbm:s20], [sflag:s9] =	dma.local [spmem:s11], $0x2800  }
0x12f: {  	_ =	swait.ge [sflag:s22], $0x2800  }
0x130: {  	[sflag:s22] =	ssyncset.done $0x0  }
0x131: {  	[sflag:s22] =	ssyncadd.s32 $0xFFFFD800  }
0x132: {  	_ =	sfence.sel $0x180000  }
0x133: {  	[bflag:$0x0] =	sbarrier.arrive $0xFFFF  }
0x134: {  	_ =	strace $0x9000004A  }
0x135: {  	s0 =	stileid.u32;
	[bflag:$0x2] =	sbarrier.arrive $0xFFFF  }
0x136: {  	p0 =	sne.s32 s0, $0x0;
	s0 =	rddreg [dreg:$0x3]  }
0x137: {  	s0 =	sadd.s32 @!p0 $0x100000, s0  }
0x138: {  	[sflag:s0] =	ssyncadd.tile.s32 @!p0 $0x1;
	_ =	shalt  }
.Lfunc_end2:
_tile_overlayer_lowered:
.L_overlay_start_2:
0x139: {  	(tag) =	ssettag $0x2  }
0x13a: {  	s0 =	rddreg [dreg:$0x0];
	s2 =	stileid.u32  }
0x13b: {  	s1 =	rddreg [dreg:$0x1];
	p0 =	sne.s32 s2, $0x0  }
0x13c: {  	s3 =	rddreg [dreg:$0x2];
	[bflag:$0x3] =	sbarrier.arrive $0xFFFF;
	s2 =	simm.s32 @!p0 $0x1C05  }
0x13d: {  	[timem:s3], [sflag:s2] =	dma.local @!p0 [hbm:s0], s1  }
0x13e: {  	s0 =	simm.s32 @!p0 $0x5  }
0x13f: {  	_ =	swait.ge @!p0 [sflag:s0], s1  }
0x140: {  	s1 =	ssub.s32 @!p0 $0x0, s1;
	[sflag:s0] =	ssyncset.done @!p0 $0x0  }
0x141: {  	[sflag:s0] =	ssyncadd.s32 @!p0 s1  }
0x142: {  	[bflag:$0x3] =	sbarrier.arrive $0xFFFF  }
0x143: {  	_ =	shalt  }

</sc_bundles>
